<compile_context>
chip_gen: v7x
topology: tpu7x:2x2x1
jax: 0.10.2.dev20260603
libtpu: 0.0.44.dev20260713+nightly
codegen_flags: <defaults>
</compile_context>

<pallas_src>
import functools

import jax
import jax.numpy as jnp
from jax import lax
from jax.experimental import pallas as pl
from jax.experimental.pallas import tpu as pltpu
from jax.experimental.pallas import tpu_sc as plsc

NUM_TYPES = 21
EMB = 128
NUM_ATOMS = 524288
NC, NS = 2, 16
NW = NC * NS
CHUNK = 128
ROWS_PER_W = NUM_ATOMS // NW
CHUNKS_PER_W = ROWS_PER_W // CHUNK
NBUF = 4


def _make_gather():
  mesh = plsc.VectorSubcoreMesh(core_axis_name="c", subcore_axis_name="s")

  @functools.partial(
      pl.kernel,
      out_type=jax.ShapeDtypeStruct((NUM_ATOMS, EMB), jnp.float32),
      mesh=mesh,
      scratch_types=[
          pltpu.VMEM_SHARED((NUM_TYPES, EMB), jnp.float32),
          pltpu.VMEM((CHUNKS_PER_W, CHUNK), jnp.int32),
          pltpu.VMEM((NBUF, CHUNK, EMB), jnp.float32),
          pltpu.SemaphoreType.DMA,
          [pltpu.SemaphoreType.DMA] * NBUF,
          [pltpu.SemaphoreType.DMA] * NBUF,
      ],
  )
  def k(w_hbm, idx_hbm, out_hbm, w_sh, idx_v, rows, isem, gsems, wsems):
    cid = lax.axis_index("c")
    sid = lax.axis_index("s")
    wid = sid * NC + cid
    base_row = wid * CHUNKS_PER_W

    idx_copy = pltpu.make_async_copy(
        idx_hbm.at[pl.ds(base_row, CHUNKS_PER_W)], idx_v, isem)
    idx_copy.start()

    @pl.when(sid == 0)
    def _():
      w_stage = rows.at[0].at[pl.ds(0, NUM_TYPES)]
      pltpu.sync_copy(w_hbm, w_stage)
      pltpu.sync_copy(w_stage, w_sh)

    plsc.subcore_barrier()
    idx_copy.wait()

    def start_gather(j, b):
      pltpu.async_copy(w_sh.at[idx_v.at[j]], rows.at[b], gsems[b])

    def wait_gather(b):
      pltpu.make_async_copy(w_sh.at[idx_v.at[0]], rows.at[b], gsems[b]).wait()

    def start_write(j, b):
      pltpu.make_async_copy(
          rows.at[b], out_hbm.at[pl.ds((base_row + j) * CHUNK, CHUNK)],
          wsems[b]).start()

    def wait_write(b):
      pltpu.make_async_copy(
          rows.at[b], out_hbm.at[pl.ds(base_row * CHUNK, CHUNK)],
          wsems[b]).wait()

    start_gather(0, 0)
    start_gather(1, 1)

    def body(j4, carry):
      for b in range(NBUF):
        j = j4 * NBUF + b
        wait_gather(b)
        start_write(j, b)
        jn = j + 2
        bn = (b + 2) % NBUF

        @pl.when(jnp.logical_and(jn >= NBUF, jn < CHUNKS_PER_W))
        def _():
          wait_write(bn)

        @pl.when(jn < CHUNKS_PER_W)
        def _():
          start_gather(jn, bn)

      return carry

    lax.fori_loop(0, CHUNKS_PER_W // NBUF, body, 0)

    for b in range(NBUF):
      wait_write(b)

  return k


_gather = _make_gather()


def kernel(residue_indices, W):
  idx = residue_indices.astype(jnp.int32).reshape(NUM_ATOMS // CHUNK, CHUNK)
  return _gather(W, idx)

# --- scband reference (transcript-rebuilt; emitter-appended) ---
"""Pipeline reference for scband-protein-residue-encoder-19112604467706 (READ-ONLY COPY).

The authoritative reference and input builder live on the scoring server;
editing this copy changes nothing except your own understanding.
"""

import jax, jax.numpy as jnp
import numpy as np

NUM_RESIDUE_TYPES = 21
EMB_DIM = 128
NUM_ATOMS = 524288

def setup_inputs(seed: int = 0) -> dict:
    key = jax.random.key(seed)
    k_idx, k_w = jax.random.split(key)
    residue_indices = jax.random.randint(k_idx, (NUM_ATOMS,), 0, NUM_RESIDUE_TYPES, dtype=jnp.int64 if jax.config.jax_enable_x64 else jnp.int32)
    # xavier_uniform init for embedding weight [num_residue_types, emb_dim]
    limit = float(np.sqrt(6.0 / (NUM_RESIDUE_TYPES + EMB_DIM)))
    W = jax.random.uniform(k_w, (NUM_RESIDUE_TYPES, EMB_DIM), minval=-limit, maxval=limit, dtype=jnp.float32)
    return {"residue_indices": residue_indices, "W": W}

def reference(residue_indices, W):
    # nn.Embedding forward: row gather from the table
    return jnp.take(W, residue_indices, axis=0)

if __name__ == "__main__":
    import jax
    _d = setup_inputs()
    print(jax.jit(kernel)(*tuple(_d.values())))

</pallas_src>

<mosaic_0001>
#map = affine_map<(d0, d1) -> (0, 0)>
module attributes {stable_mosaic.version = 14 : i64} {
  func.func @k(%arg0: i32, %arg1: i32, %arg2: memref<21x128xf32, #tpu.memory_space<hbm>>, %arg3: memref<4096x128xi32, #tpu.memory_space<hbm>>, %arg4: memref<524288x128xf32, #tpu.memory_space<hbm>>, %arg5: memref<21x128xf32, #tpu.memory_space<vmem_shared>>, %arg6: memref<128x128xi32, #tpu.memory_space<vmem>>, %arg7: memref<4x128x128xf32, #tpu.memory_space<vmem>>, %arg8: memref<!tpu.dma_semaphore, #tpu.memory_space<semaphore_mem>>, %arg9: memref<!tpu.dma_semaphore, #tpu.memory_space<semaphore_mem>>, %arg10: memref<!tpu.dma_semaphore, #tpu.memory_space<semaphore_mem>>, %arg11: memref<!tpu.dma_semaphore, #tpu.memory_space<semaphore_mem>>, %arg12: memref<!tpu.dma_semaphore, #tpu.memory_space<semaphore_mem>>, %arg13: memref<!tpu.dma_semaphore, #tpu.memory_space<semaphore_mem>>, %arg14: memref<!tpu.dma_semaphore, #tpu.memory_space<semaphore_mem>>, %arg15: memref<!tpu.dma_semaphore, #tpu.memory_space<semaphore_mem>>, %arg16: memref<!tpu.dma_semaphore, #tpu.memory_space<semaphore_mem>>) attributes {dimension_semantics = [#tpu.dimension_semantics<core_parallel>, #tpu.dimension_semantics<subcore_parallel>], iteration_bounds = array<i64: 2, 16>, scalar_prefetch = 0 : i64, scratch_operands = 12 : i64, tpu.core_type = #tpu.core_type<sc_vector_subcore>, window_params = [{transform_indices = #map}, {transform_indices = #map}, {transform_indices = #map}]} {
    %mul3A = arith.constant 2 : i32
    %mul3A_0 = arith.muli %arg1, %mul3A : i32
    %add3A = arith.addi %mul3A_0, %arg0 : i32
    %mul3A_1 = arith.constant 128 : i32
    %mul3A_2 = arith.muli %add3A, %mul3A_1 : i32
    %dma_start3A = arith.constant 0 : i32
    %dma_start3A_3 = tpu.memref_slice %arg3[%mul3A_2, %dma_start3A] : memref<4096x128xi32, #tpu.memory_space<hbm>> -> memref<128x128xi32, #tpu.memory_space<hbm>>
    %dma_start3A_4 = arith.constant 0 : i32
    %dma_start3A_5 = tpu.memref_slice %arg3[%mul3A_2, %dma_start3A_4] : memref<4096x128xi32, #tpu.memory_space<hbm>> -> memref<128x128xi32, #tpu.memory_space<hbm>>
    tpu.enqueue_dma source(%dma_start3A_5 : memref<128x128xi32, #tpu.memory_space<hbm>>) target(%arg6 : memref<128x128xi32, #tpu.memory_space<vmem>>) target_semaphore(%arg8 : memref<!tpu.dma_semaphore, #tpu.memory_space<semaphore_mem>>)
    %eq3A = arith.constant 0 : i32
    %eq3A_6 = arith.cmpi eq, %arg1, %eq3A : i32
    %convert_element_type3A = arith.extui %eq3A_6 : i1 to i32
    %cond3A = arith.constant 0 : i32
    %cond3A_7 = arith.cmpi ne, %convert_element_type3A, %cond3A : i32
    scf.if %cond3A_7 {
      %run_scoped3A = arith.constant 0 : i32
      "tpu.region"() ({
        %run_scoped3A_101 = tpu.sem_alloc : memref<!tpu.dma_semaphore, #tpu.memory_space<semaphore_mem>>
        %dma_start3A_102 = arith.constant 0 : i32
        %dma_start3A_103 = arith.constant 0 : i32
        %dma_start3A_104 = tpu.memref_slice %arg7[%run_scoped3A, %dma_start3A_102, %dma_start3A_103] : memref<4x128x128xf32, #tpu.memory_space<vmem>> -> memref<1x128x128xf32, #tpu.memory_space<vmem>>
        %dma_start3A_105 = tpu.memref_squeeze %dma_start3A_104 : memref<1x128x128xf32, #tpu.memory_space<vmem>> -> memref<128x128xf32, #tpu.memory_space<vmem>>
        %dma_start3A_106 = arith.constant 0 : i32
        %dma_start3A_107 = arith.constant 0 : i32
        %dma_start3A_108 = tpu.memref_slice %dma_start3A_105[%dma_start3A_106, %dma_start3A_107] : memref<128x128xf32, #tpu.memory_space<vmem>> -> memref<21x128xf32, #tpu.memory_space<vmem>>
        %dma_start3A_109 = arith.constant 0 : i32
        %dma_start3A_110 = arith.constant 0 : i32
        %dma_start3A_111 = tpu.memref_slice %arg7[%run_scoped3A, %dma_start3A_109, %dma_start3A_110] : memref<4x128x128xf32, #tpu.memory_space<vmem>> -> memref<1x128x128xf32, #tpu.memory_space<vmem>>
        %dma_start3A_112 = tpu.memref_squeeze %dma_start3A_111 : memref<1x128x128xf32, #tpu.memory_space<vmem>> -> memref<128x128xf32, #tpu.memory_space<vmem>>
        %dma_start3A_113 = arith.constant 0 : i32
        %dma_start3A_114 = arith.constant 0 : i32
        %dma_start3A_115 = tpu.memref_slice %dma_start3A_112[%dma_start3A_113, %dma_start3A_114] : memref<128x128xf32, #tpu.memory_space<vmem>> -> memref<21x128xf32, #tpu.memory_space<vmem>>
        tpu.enqueue_dma source(%arg2 : memref<21x128xf32, #tpu.memory_space<hbm>>) target(%dma_start3A_115 : memref<21x128xf32, #tpu.memory_space<vmem>>) target_semaphore(%run_scoped3A_101 : memref<!tpu.dma_semaphore, #tpu.memory_space<semaphore_mem>>)
        %dma_wait3A_116 = arith.constant 0 : i32
        %dma_wait3A_117 = arith.constant 0 : i32
        %dma_wait3A_118 = tpu.memref_slice %arg7[%run_scoped3A, %dma_wait3A_116, %dma_wait3A_117] : memref<4x128x128xf32, #tpu.memory_space<vmem>> -> memref<1x128x128xf32, #tpu.memory_space<vmem>>
        %dma_wait3A_119 = tpu.memref_squeeze %dma_wait3A_118 : memref<1x128x128xf32, #tpu.memory_space<vmem>> -> memref<128x128xf32, #tpu.memory_space<vmem>>
        %dma_wait3A_120 = arith.constant 0 : i32
        %dma_wait3A_121 = arith.constant 0 : i32
        %dma_wait3A_122 = tpu.memref_slice %dma_wait3A_119[%dma_wait3A_120, %dma_wait3A_121] : memref<128x128xf32, #tpu.memory_space<vmem>> -> memref<21x128xf32, #tpu.memory_space<vmem>>
        %dma_wait3A_123 = arith.constant 0 : i32
        %dma_wait3A_124 = arith.constant 0 : i32
        %dma_wait3A_125 = tpu.memref_slice %arg7[%run_scoped3A, %dma_wait3A_123, %dma_wait3A_124] : memref<4x128x128xf32, #tpu.memory_space<vmem>> -> memref<1x128x128xf32, #tpu.memory_space<vmem>>
        %dma_wait3A_126 = tpu.memref_squeeze %dma_wait3A_125 : memref<1x128x128xf32, #tpu.memory_space<vmem>> -> memref<128x128xf32, #tpu.memory_space<vmem>>
        %dma_wait3A_127 = arith.constant 0 : i32
        %dma_wait3A_128 = arith.constant 0 : i32
        %dma_wait3A_129 = tpu.memref_slice %dma_wait3A_126[%dma_wait3A_127, %dma_wait3A_128] : memref<128x128xf32, #tpu.memory_space<vmem>> -> memref<21x128xf32, #tpu.memory_space<vmem>>
        tpu.wait_dma2 semaphore(%run_scoped3A_101 : memref<!tpu.dma_semaphore, #tpu.memory_space<semaphore_mem>>) src(%arg2 : memref<21x128xf32, #tpu.memory_space<hbm>>) dst(%dma_wait3A_129 : memref<21x128xf32, #tpu.memory_space<vmem>>)
        tpu.yield
      }) : () -> ()
      %run_scoped3A_100 = arith.constant 0 : i32
      "tpu.region"() ({
        %run_scoped3A_101 = tpu.sem_alloc : memref<!tpu.dma_semaphore, #tpu.memory_space<semaphore_mem>>
        %dma_start3A_102 = arith.constant 0 : i32
        %dma_start3A_103 = arith.constant 0 : i32
        %dma_start3A_104 = tpu.memref_slice %arg7[%run_scoped3A_100, %dma_start3A_102, %dma_start3A_103] : memref<4x128x128xf32, #tpu.memory_space<vmem>> -> memref<1x128x128xf32, #tpu.memory_space<vmem>>
        %dma_start3A_105 = tpu.memref_squeeze %dma_start3A_104 : memref<1x128x128xf32, #tpu.memory_space<vmem>> -> memref<128x128xf32, #tpu.memory_space<vmem>>
        %dma_start3A_106 = arith.constant 0 : i32
        %dma_start3A_107 = arith.constant 0 : i32
        %dma_start3A_108 = tpu.memref_slice %dma_start3A_105[%dma_start3A_106, %dma_start3A_107] : memref<128x128xf32, #tpu.memory_space<vmem>> -> memref<21x128xf32, #tpu.memory_space<vmem>>
        %dma_start3A_109 = arith.constant 0 : i32
        %dma_start3A_110 = arith.constant 0 : i32
        %dma_start3A_111 = tpu.memref_slice %arg7[%run_scoped3A_100, %dma_start3A_109, %dma_start3A_110] : memref<4x128x128xf32, #tpu.memory_space<vmem>> -> memref<1x128x128xf32, #tpu.memory_space<vmem>>
        %dma_start3A_112 = tpu.memref_squeeze %dma_start3A_111 : memref<1x128x128xf32, #tpu.memory_space<vmem>> -> memref<128x128xf32, #tpu.memory_space<vmem>>
        %dma_start3A_113 = arith.constant 0 : i32
        %dma_start3A_114 = arith.constant 0 : i32
        %dma_start3A_115 = tpu.memref_slice %dma_start3A_112[%dma_start3A_113, %dma_start3A_114] : memref<128x128xf32, #tpu.memory_space<vmem>> -> memref<21x128xf32, #tpu.memory_space<vmem>>
        tpu.enqueue_dma source(%dma_start3A_115 : memref<21x128xf32, #tpu.memory_space<vmem>>) target(%arg5 : memref<21x128xf32, #tpu.memory_space<vmem_shared>>) target_semaphore(%run_scoped3A_101 : memref<!tpu.dma_semaphore, #tpu.memory_space<semaphore_mem>>)
        %dma_wait3A_116 = arith.constant 0 : i32
        %dma_wait3A_117 = arith.constant 0 : i32
        %dma_wait3A_118 = tpu.memref_slice %arg7[%run_scoped3A_100, %dma_wait3A_116, %dma_wait3A_117] : memref<4x128x128xf32, #tpu.memory_space<vmem>> -> memref<1x128x128xf32, #tpu.memory_space<vmem>>
        %dma_wait3A_119 = tpu.memref_squeeze %dma_wait3A_118 : memref<1x128x128xf32, #tpu.memory_space<vmem>> -> memref<128x128xf32, #tpu.memory_space<vmem>>
        %dma_wait3A_120 = arith.constant 0 : i32
        %dma_wait3A_121 = arith.constant 0 : i32
        %dma_wait3A_122 = tpu.memref_slice %dma_wait3A_119[%dma_wait3A_120, %dma_wait3A_121] : memref<128x128xf32, #tpu.memory_space<vmem>> -> memref<21x128xf32, #tpu.memory_space<vmem>>
        %dma_wait3A_123 = arith.constant 0 : i32
        %dma_wait3A_124 = arith.constant 0 : i32
        %dma_wait3A_125 = tpu.memref_slice %arg7[%run_scoped3A_100, %dma_wait3A_123, %dma_wait3A_124] : memref<4x128x128xf32, #tpu.memory_space<vmem>> -> memref<1x128x128xf32, #tpu.memory_space<vmem>>
        %dma_wait3A_126 = tpu.memref_squeeze %dma_wait3A_125 : memref<1x128x128xf32, #tpu.memory_space<vmem>> -> memref<128x128xf32, #tpu.memory_space<vmem>>
        %dma_wait3A_127 = arith.constant 0 : i32
        %dma_wait3A_128 = arith.constant 0 : i32
        %dma_wait3A_129 = tpu.memref_slice %dma_wait3A_126[%dma_wait3A_127, %dma_wait3A_128] : memref<128x128xf32, #tpu.memory_space<vmem>> -> memref<21x128xf32, #tpu.memory_space<vmem>>
        tpu.wait_dma2 semaphore(%run_scoped3A_101 : memref<!tpu.dma_semaphore, #tpu.memory_space<semaphore_mem>>) src(%dma_wait3A_129 : memref<21x128xf32, #tpu.memory_space<vmem>>) dst(%arg5 : memref<21x128xf32, #tpu.memory_space<vmem_shared>>)
        tpu.yield
      }) : () -> ()
    } else {
    }
    %barrier3A = arith.constant 0 : index
    tpu.barrier barrier_id(%barrier3A)
    %dma_wait3A = arith.constant 0 : i32
    %dma_wait3A_8 = tpu.memref_slice %arg3[%mul3A_2, %dma_wait3A] : memref<4096x128xi32, #tpu.memory_space<hbm>> -> memref<128x128xi32, #tpu.memory_space<hbm>>
    %dma_wait3A_9 = arith.constant 0 : i32
    %dma_wait3A_10 = tpu.memref_slice %arg3[%mul3A_2, %dma_wait3A_9] : memref<4096x128xi32, #tpu.memory_space<hbm>> -> memref<128x128xi32, #tpu.memory_space<hbm>>
    tpu.wait_dma2 semaphore(%arg8 : memref<!tpu.dma_semaphore, #tpu.memory_space<semaphore_mem>>) src(%dma_wait3A_10 : memref<128x128xi32, #tpu.memory_space<hbm>>) dst(%arg6 : memref<128x128xi32, #tpu.memory_space<vmem>>)
    %dma_start3A_11 = arith.constant 0 : i32
    %dma_start3A_12 = arith.constant 0 : i32
    %dma_start3A_13 = arith.constant 0 : i32
    %dma_start3A_14 = arith.constant 0 : i32
    %dma_start3A_15 = tpu.memref_slice %arg7[%dma_start3A_12, %dma_start3A_13, %dma_start3A_14] : memref<4x128x128xf32, #tpu.memory_space<vmem>> -> memref<1x128x128xf32, #tpu.memory_space<vmem>>
    %dma_start3A_16 = tpu.memref_squeeze %dma_start3A_15 : memref<1x128x128xf32, #tpu.memory_space<vmem>> -> memref<128x128xf32, #tpu.memory_space<vmem>>
    %dma_start3A_17 = arith.constant 0 : i32
    %dma_start3A_18 = tpu.memref_slice %arg6[%dma_start3A_11, %dma_start3A_17] : memref<128x128xi32, #tpu.memory_space<vmem>> -> memref<1x128xi32, #tpu.memory_space<vmem>>
    %dma_start3A_19 = tpu.memref_squeeze %dma_start3A_18 : memref<1x128xi32, #tpu.memory_space<vmem>> -> memref<128xi32, #tpu.memory_space<vmem>>
    %dma_start3A_20 = arith.constant 0 : i32
    %dma_start3A_21 = arith.constant 0 : i32
    %dma_start3A_22 = tpu.memref_slice %arg5[%dma_start3A_20, %dma_start3A_21] : memref<21x128xf32, #tpu.memory_space<vmem_shared>> -> memref<21x128xf32, #tpu.memory_space<vmem_shared>>
    tpu.enqueue_indirect_dma source(%dma_start3A_22 : memref<21x128xf32, #tpu.memory_space<vmem_shared>>) target(%dma_start3A_16 : memref<128x128xf32, #tpu.memory_space<vmem>>) offsets(%dma_start3A_19 : memref<128xi32, #tpu.memory_space<vmem>>) semaphore(%arg9 : memref<!tpu.dma_semaphore, #tpu.memory_space<semaphore_mem>>)
    %dma_start3A_23 = arith.constant 1 : i32
    %dma_start3A_24 = arith.constant 1 : i32
    %dma_start3A_25 = arith.constant 0 : i32
    %dma_start3A_26 = arith.constant 0 : i32
    %dma_start3A_27 = tpu.memref_slice %arg7[%dma_start3A_24, %dma_start3A_25, %dma_start3A_26] : memref<4x128x128xf32, #tpu.memory_space<vmem>> -> memref<1x128x128xf32, #tpu.memory_space<vmem>>
    %dma_start3A_28 = tpu.memref_squeeze %dma_start3A_27 : memref<1x128x128xf32, #tpu.memory_space<vmem>> -> memref<128x128xf32, #tpu.memory_space<vmem>>
    %dma_start3A_29 = arith.constant 0 : i32
    %dma_start3A_30 = tpu.memref_slice %arg6[%dma_start3A_23, %dma_start3A_29] : memref<128x128xi32, #tpu.memory_space<vmem>> -> memref<1x128xi32, #tpu.memory_space<vmem>>
    %dma_start3A_31 = tpu.memref_squeeze %dma_start3A_30 : memref<1x128xi32, #tpu.memory_space<vmem>> -> memref<128xi32, #tpu.memory_space<vmem>>
    %dma_start3A_32 = arith.constant 0 : i32
    %dma_start3A_33 = arith.constant 0 : i32
    %dma_start3A_34 = tpu.memref_slice %arg5[%dma_start3A_32, %dma_start3A_33] : memref<21x128xf32, #tpu.memory_space<vmem_shared>> -> memref<21x128xf32, #tpu.memory_space<vmem_shared>>
    tpu.enqueue_indirect_dma source(%dma_start3A_34 : memref<21x128xf32, #tpu.memory_space<vmem_shared>>) target(%dma_start3A_28 : memref<128x128xf32, #tpu.memory_space<vmem>>) offsets(%dma_start3A_31 : memref<128xi32, #tpu.memory_space<vmem>>) semaphore(%arg10 : memref<!tpu.dma_semaphore, #tpu.memory_space<semaphore_mem>>)
    %scan3A = arith.constant 0 : i32
    %scan3A_35 = arith.constant 0 : i32
    %scan3A_36 = arith.constant 32 : i32
    %scan3A_37 = arith.addi %scan3A_35, %scan3A_36 : i32
    %scan3A_38 = arith.constant 1 : i32
    scf.for %scan3A_100 = %scan3A_35 to %scan3A_37 step %scan3A_38  : i32 {
      %mul3A_101 = arith.constant 4 : i32
      %mul3A_102 = arith.muli %scan3A_100, %mul3A_101 : i32
      %add3A_103 = arith.constant 0 : i32
      %add3A_104 = arith.addi %mul3A_102, %add3A_103 : i32
      %dma_wait3A_105 = arith.constant 0 : i32
      %dma_wait3A_106 = arith.constant 0 : i32
      %dma_wait3A_107 = arith.constant 0 : i32
      %dma_wait3A_108 = arith.constant 0 : i32
      %dma_wait3A_109 = tpu.memref_slice %arg7[%dma_wait3A_106, %dma_wait3A_107, %dma_wait3A_108] : memref<4x128x128xf32, #tpu.memory_space<vmem>> -> memref<1x128x128xf32, #tpu.memory_space<vmem>>
      %dma_wait3A_110 = tpu.memref_squeeze %dma_wait3A_109 : memref<1x128x128xf32, #tpu.memory_space<vmem>> -> memref<128x128xf32, #tpu.memory_space<vmem>>
      %dma_wait3A_111 = arith.constant 0 : i32
      %dma_wait3A_112 = tpu.memref_slice %arg6[%dma_wait3A_105, %dma_wait3A_111] : memref<128x128xi32, #tpu.memory_space<vmem>> -> memref<1x128xi32, #tpu.memory_space<vmem>>
      %dma_wait3A_113 = tpu.memref_squeeze %dma_wait3A_112 : memref<1x128xi32, #tpu.memory_space<vmem>> -> memref<128xi32, #tpu.memory_space<vmem>>
      %dma_wait3A_114 = arith.constant 0 : i32
      %dma_wait3A_115 = arith.constant 0 : i32
      %dma_wait3A_116 = tpu.memref_slice %arg5[%dma_wait3A_114, %dma_wait3A_115] : memref<21x128xf32, #tpu.memory_space<vmem_shared>> -> memref<21x128xf32, #tpu.memory_space<vmem_shared>>
      tpu.wait_indirect_dma semaphore(%arg9 : memref<!tpu.dma_semaphore, #tpu.memory_space<semaphore_mem>>) src(%dma_wait3A_116 : memref<21x128xf32, #tpu.memory_space<vmem_shared>>) dst(%dma_wait3A_110 : memref<128x128xf32, #tpu.memory_space<vmem>>)
      %add3A_117 = arith.addi %mul3A_2, %add3A_104 : i32
      %mul3A_118 = arith.constant 128 : i32
      %mul3A_119 = arith.muli %add3A_117, %mul3A_118 : i32
      %dma_start3A_120 = arith.constant 0 : i32
      %dma_start3A_121 = arith.constant 0 : i32
      %dma_start3A_122 = arith.constant 0 : i32
      %dma_start3A_123 = tpu.memref_slice %arg7[%dma_start3A_120, %dma_start3A_121, %dma_start3A_122] : memref<4x128x128xf32, #tpu.memory_space<vmem>> -> memref<1x128x128xf32, #tpu.memory_space<vmem>>
      %dma_start3A_124 = tpu.memref_squeeze %dma_start3A_123 : memref<1x128x128xf32, #tpu.memory_space<vmem>> -> memref<128x128xf32, #tpu.memory_space<vmem>>
      %dma_start3A_125 = arith.constant 0 : i32
      %dma_start3A_126 = tpu.memref_slice %arg4[%mul3A_119, %dma_start3A_125] : memref<524288x128xf32, #tpu.memory_space<hbm>> -> memref<128x128xf32, #tpu.memory_space<hbm>>
      %dma_start3A_127 = arith.constant 0 : i32
      %dma_start3A_128 = tpu.memref_slice %arg4[%mul3A_119, %dma_start3A_127] : memref<524288x128xf32, #tpu.memory_space<hbm>> -> memref<128x128xf32, #tpu.memory_space<hbm>>
      %dma_start3A_129 = arith.constant 0 : i32
      %dma_start3A_130 = arith.constant 0 : i32
      %dma_start3A_131 = tpu.memref_slice %arg7[%dma_start3A_120, %dma_start3A_129, %dma_start3A_130] : memref<4x128x128xf32, #tpu.memory_space<vmem>> -> memref<1x128x128xf32, #tpu.memory_space<vmem>>
      %dma_start3A_132 = tpu.memref_squeeze %dma_start3A_131 : memref<1x128x128xf32, #tpu.memory_space<vmem>> -> memref<128x128xf32, #tpu.memory_space<vmem>>
      tpu.enqueue_dma source(%dma_start3A_132 : memref<128x128xf32, #tpu.memory_space<vmem>>) target(%dma_start3A_128 : memref<128x128xf32, #tpu.memory_space<hbm>>) target_semaphore(%arg13 : memref<!tpu.dma_semaphore, #tpu.memory_space<semaphore_mem>>)
      %add3A_133 = arith.constant 2 : i32
      %add3A_134 = arith.addi %add3A_104, %add3A_133 : i32
      %ge3A = arith.constant 4 : i32
      %ge3A_135 = arith.cmpi sge, %add3A_134, %ge3A : i32
      %lt3A = arith.constant 128 : i32
      %lt3A_136 = arith.cmpi slt, %add3A_134, %lt3A : i32
      %and3A = arith.andi %ge3A_135, %lt3A_136 : i1
      %convert_element_type3A_137 = arith.extui %and3A : i1 to i32
      %cond3A_138 = arith.constant 0 : i32
      %cond3A_139 = arith.cmpi ne, %convert_element_type3A_137, %cond3A_138 : i32
      scf.if %cond3A_139 {
        %mul3A_286 = arith.constant 128 : i32
        %mul3A_287 = arith.muli %mul3A_2, %mul3A_286 : i32
        %dma_wait3A_288 = arith.constant 2 : i32
        %dma_wait3A_289 = arith.constant 0 : i32
        %dma_wait3A_290 = arith.constant 0 : i32
        %dma_wait3A_291 = tpu.memref_slice %arg7[%dma_wait3A_288, %dma_wait3A_289, %dma_wait3A_290] : memref<4x128x128xf32, #tpu.memory_space<vmem>> -> memref<1x128x128xf32, #tpu.memory_space<vmem>>
        %dma_wait3A_292 = tpu.memref_squeeze %dma_wait3A_291 : memref<1x128x128xf32, #tpu.memory_space<vmem>> -> memref<128x128xf32, #tpu.memory_space<vmem>>
        %dma_wait3A_293 = arith.constant 0 : i32
        %dma_wait3A_294 = tpu.memref_slice %arg4[%mul3A_287, %dma_wait3A_293] : memref<524288x128xf32, #tpu.memory_space<hbm>> -> memref<128x128xf32, #tpu.memory_space<hbm>>
        %dma_wait3A_295 = arith.constant 0 : i32
        %dma_wait3A_296 = tpu.memref_slice %arg4[%mul3A_287, %dma_wait3A_295] : memref<524288x128xf32, #tpu.memory_space<hbm>> -> memref<128x128xf32, #tpu.memory_space<hbm>>
        %dma_wait3A_297 = arith.constant 0 : i32
        %dma_wait3A_298 = arith.constant 0 : i32
        %dma_wait3A_299 = tpu.memref_slice %arg7[%dma_wait3A_288, %dma_wait3A_297, %dma_wait3A_298] : memref<4x128x128xf32, #tpu.memory_space<vmem>> -> memref<1x128x128xf32, #tpu.memory_space<vmem>>
        %dma_wait3A_300 = tpu.memref_squeeze %dma_wait3A_299 : memref<1x128x128xf32, #tpu.memory_space<vmem>> -> memref<128x128xf32, #tpu.memory_space<vmem>>
        tpu.wait_dma2 semaphore(%arg15 : memref<!tpu.dma_semaphore, #tpu.memory_space<semaphore_mem>>) src(%dma_wait3A_300 : memref<128x128xf32, #tpu.memory_space<vmem>>) dst(%dma_wait3A_296 : memref<128x128xf32, #tpu.memory_space<hbm>>)
      } else {
      }
      %lt3A_140 = arith.constant 128 : i32
      %lt3A_141 = arith.cmpi slt, %add3A_134, %lt3A_140 : i32
      %convert_element_type3A_142 = arith.extui %lt3A_141 : i1 to i32
      %cond3A_143 = arith.constant 0 : i32
      %cond3A_144 = arith.cmpi ne, %convert_element_type3A_142, %cond3A_143 : i32
      scf.if %cond3A_144 {
        %dma_start3A_286 = arith.constant 2 : i32
        %dma_start3A_287 = arith.constant 0 : i32
        %dma_start3A_288 = arith.constant 0 : i32
        %dma_start3A_289 = tpu.memref_slice %arg7[%dma_start3A_286, %dma_start3A_287, %dma_start3A_288] : memref<4x128x128xf32, #tpu.memory_space<vmem>> -> memref<1x128x128xf32, #tpu.memory_space<vmem>>
        %dma_start3A_290 = tpu.memref_squeeze %dma_start3A_289 : memref<1x128x128xf32, #tpu.memory_space<vmem>> -> memref<128x128xf32, #tpu.memory_space<vmem>>
        %dma_start3A_291 = arith.constant 0 : i32
        %dma_start3A_292 = tpu.memref_slice %arg6[%add3A_134, %dma_start3A_291] : memref<128x128xi32, #tpu.memory_space<vmem>> -> memref<1x128xi32, #tpu.memory_space<vmem>>
        %dma_start3A_293 = tpu.memref_squeeze %dma_start3A_292 : memref<1x128xi32, #tpu.memory_space<vmem>> -> memref<128xi32, #tpu.memory_space<vmem>>
        %dma_start3A_294 = arith.constant 0 : i32
        %dma_start3A_295 = arith.constant 0 : i32
        %dma_start3A_296 = tpu.memref_slice %arg5[%dma_start3A_294, %dma_start3A_295] : memref<21x128xf32, #tpu.memory_space<vmem_shared>> -> memref<21x128xf32, #tpu.memory_space<vmem_shared>>
        tpu.enqueue_indirect_dma source(%dma_start3A_296 : memref<21x128xf32, #tpu.memory_space<vmem_shared>>) target(%dma_start3A_290 : memref<128x128xf32, #tpu.memory_space<vmem>>) offsets(%dma_start3A_293 : memref<128xi32, #tpu.memory_space<vmem>>) semaphore(%arg11 : memref<!tpu.dma_semaphore, #tpu.memory_space<semaphore_mem>>)
      } else {
      }
      %mul3A_145 = arith.constant 4 : i32
      %mul3A_146 = arith.muli %scan3A_100, %mul3A_145 : i32
      %add3A_147 = arith.constant 1 : i32
      %add3A_148 = arith.addi %mul3A_146, %add3A_147 : i32
      %dma_wait3A_149 = arith.constant 0 : i32
      %dma_wait3A_150 = arith.constant 1 : i32
      %dma_wait3A_151 = arith.constant 0 : i32
      %dma_wait3A_152 = arith.constant 0 : i32
      %dma_wait3A_153 = tpu.memref_slice %arg7[%dma_wait3A_150, %dma_wait3A_151, %dma_wait3A_152] : memref<4x128x128xf32, #tpu.memory_space<vmem>> -> memref<1x128x128xf32, #tpu.memory_space<vmem>>
      %dma_wait3A_154 = tpu.memref_squeeze %dma_wait3A_153 : memref<1x128x128xf32, #tpu.memory_space<vmem>> -> memref<128x128xf32, #tpu.memory_space<vmem>>
      %dma_wait3A_155 = arith.constant 0 : i32
      %dma_wait3A_156 = tpu.memref_slice %arg6[%dma_wait3A_149, %dma_wait3A_155] : memref<128x128xi32, #tpu.memory_space<vmem>> -> memref<1x128xi32, #tpu.memory_space<vmem>>
      %dma_wait3A_157 = tpu.memref_squeeze %dma_wait3A_156 : memref<1x128xi32, #tpu.memory_space<vmem>> -> memref<128xi32, #tpu.memory_space<vmem>>
      %dma_wait3A_158 = arith.constant 0 : i32
      %dma_wait3A_159 = arith.constant 0 : i32
      %dma_wait3A_160 = tpu.memref_slice %arg5[%dma_wait3A_158, %dma_wait3A_159] : memref<21x128xf32, #tpu.memory_space<vmem_shared>> -> memref<21x128xf32, #tpu.memory_space<vmem_shared>>
      tpu.wait_indirect_dma semaphore(%arg10 : memref<!tpu.dma_semaphore, #tpu.memory_space<semaphore_mem>>) src(%dma_wait3A_160 : memref<21x128xf32, #tpu.memory_space<vmem_shared>>) dst(%dma_wait3A_154 : memref<128x128xf32, #tpu.memory_space<vmem>>)
      %add3A_161 = arith.addi %mul3A_2, %add3A_148 : i32
      %mul3A_162 = arith.constant 128 : i32
      %mul3A_163 = arith.muli %add3A_161, %mul3A_162 : i32
      %dma_start3A_164 = arith.constant 1 : i32
      %dma_start3A_165 = arith.constant 0 : i32
      %dma_start3A_166 = arith.constant 0 : i32
      %dma_start3A_167 = tpu.memref_slice %arg7[%dma_start3A_164, %dma_start3A_165, %dma_start3A_166] : memref<4x128x128xf32, #tpu.memory_space<vmem>> -> memref<1x128x128xf32, #tpu.memory_space<vmem>>
      %dma_start3A_168 = tpu.memref_squeeze %dma_start3A_167 : memref<1x128x128xf32, #tpu.memory_space<vmem>> -> memref<128x128xf32, #tpu.memory_space<vmem>>
      %dma_start3A_169 = arith.constant 0 : i32
      %dma_start3A_170 = tpu.memref_slice %arg4[%mul3A_163, %dma_start3A_169] : memref<524288x128xf32, #tpu.memory_space<hbm>> -> memref<128x128xf32, #tpu.memory_space<hbm>>
      %dma_start3A_171 = arith.constant 0 : i32
      %dma_start3A_172 = tpu.memref_slice %arg4[%mul3A_163, %dma_start3A_171] : memref<524288x128xf32, #tpu.memory_space<hbm>> -> memref<128x128xf32, #tpu.memory_space<hbm>>
      %dma_start3A_173 = arith.constant 0 : i32
      %dma_start3A_174 = arith.constant 0 : i32
      %dma_start3A_175 = tpu.memref_slice %arg7[%dma_start3A_164, %dma_start3A_173, %dma_start3A_174] : memref<4x128x128xf32, #tpu.memory_space<vmem>> -> memref<1x128x128xf32, #tpu.memory_space<vmem>>
      %dma_start3A_176 = tpu.memref_squeeze %dma_start3A_175 : memref<1x128x128xf32, #tpu.memory_space<vmem>> -> memref<128x128xf32, #tpu.memory_space<vmem>>
      tpu.enqueue_dma source(%dma_start3A_176 : memref<128x128xf32, #tpu.memory_space<vmem>>) target(%dma_start3A_172 : memref<128x128xf32, #tpu.memory_space<hbm>>) target_semaphore(%arg14 : memref<!tpu.dma_semaphore, #tpu.memory_space<semaphore_mem>>)
      %add3A_177 = arith.constant 2 : i32
      %add3A_178 = arith.addi %add3A_148, %add3A_177 : i32
      %ge3A_179 = arith.constant 4 : i32
      %ge3A_180 = arith.cmpi sge, %add3A_178, %ge3A_179 : i32
      %lt3A_181 = arith.constant 128 : i32
      %lt3A_182 = arith.cmpi slt, %add3A_178, %lt3A_181 : i32
      %and3A_183 = arith.andi %ge3A_180, %lt3A_182 : i1
      %convert_element_type3A_184 = arith.extui %and3A_183 : i1 to i32
      %cond3A_185 = arith.constant 0 : i32
      %cond3A_186 = arith.cmpi ne, %convert_element_type3A_184, %cond3A_185 : i32
      scf.if %cond3A_186 {
        %mul3A_286 = arith.constant 128 : i32
        %mul3A_287 = arith.muli %mul3A_2, %mul3A_286 : i32
        %dma_wait3A_288 = arith.constant 3 : i32
        %dma_wait3A_289 = arith.constant 0 : i32
        %dma_wait3A_290 = arith.constant 0 : i32
        %dma_wait3A_291 = tpu.memref_slice %arg7[%dma_wait3A_288, %dma_wait3A_289, %dma_wait3A_290] : memref<4x128x128xf32, #tpu.memory_space<vmem>> -> memref<1x128x128xf32, #tpu.memory_space<vmem>>
        %dma_wait3A_292 = tpu.memref_squeeze %dma_wait3A_291 : memref<1x128x128xf32, #tpu.memory_space<vmem>> -> memref<128x128xf32, #tpu.memory_space<vmem>>
        %dma_wait3A_293 = arith.constant 0 : i32
        %dma_wait3A_294 = tpu.memref_slice %arg4[%mul3A_287, %dma_wait3A_293] : memref<524288x128xf32, #tpu.memory_space<hbm>> -> memref<128x128xf32, #tpu.memory_space<hbm>>
        %dma_wait3A_295 = arith.constant 0 : i32
        %dma_wait3A_296 = tpu.memref_slice %arg4[%mul3A_287, %dma_wait3A_295] : memref<524288x128xf32, #tpu.memory_space<hbm>> -> memref<128x128xf32, #tpu.memory_space<hbm>>
        %dma_wait3A_297 = arith.constant 0 : i32
        %dma_wait3A_298 = arith.constant 0 : i32
        %dma_wait3A_299 = tpu.memref_slice %arg7[%dma_wait3A_288, %dma_wait3A_297, %dma_wait3A_298] : memref<4x128x128xf32, #tpu.memory_space<vmem>> -> memref<1x128x128xf32, #tpu.memory_space<vmem>>
        %dma_wait3A_300 = tpu.memref_squeeze %dma_wait3A_299 : memref<1x128x128xf32, #tpu.memory_space<vmem>> -> memref<128x128xf32, #tpu.memory_space<vmem>>
        tpu.wait_dma2 semaphore(%arg16 : memref<!tpu.dma_semaphore, #tpu.memory_space<semaphore_mem>>) src(%dma_wait3A_300 : memref<128x128xf32, #tpu.memory_space<vmem>>) dst(%dma_wait3A_296 : memref<128x128xf32, #tpu.memory_space<hbm>>)
      } else {
      }
      %lt3A_187 = arith.constant 128 : i32
      %lt3A_188 = arith.cmpi slt, %add3A_178, %lt3A_187 : i32
      %convert_element_type3A_189 = arith.extui %lt3A_188 : i1 to i32
      %cond3A_190 = arith.constant 0 : i32
      %cond3A_191 = arith.cmpi ne, %convert_element_type3A_189, %cond3A_190 : i32
      scf.if %cond3A_191 {
        %dma_start3A_286 = arith.constant 3 : i32
        %dma_start3A_287 = arith.constant 0 : i32
        %dma_start3A_288 = arith.constant 0 : i32
        %dma_start3A_289 = tpu.memref_slice %arg7[%dma_start3A_286, %dma_start3A_287, %dma_start3A_288] : memref<4x128x128xf32, #tpu.memory_space<vmem>> -> memref<1x128x128xf32, #tpu.memory_space<vmem>>
        %dma_start3A_290 = tpu.memref_squeeze %dma_start3A_289 : memref<1x128x128xf32, #tpu.memory_space<vmem>> -> memref<128x128xf32, #tpu.memory_space<vmem>>
        %dma_start3A_291 = arith.constant 0 : i32
        %dma_start3A_292 = tpu.memref_slice %arg6[%add3A_178, %dma_start3A_291] : memref<128x128xi32, #tpu.memory_space<vmem>> -> memref<1x128xi32, #tpu.memory_space<vmem>>
        %dma_start3A_293 = tpu.memref_squeeze %dma_start3A_292 : memref<1x128xi32, #tpu.memory_space<vmem>> -> memref<128xi32, #tpu.memory_space<vmem>>
        %dma_start3A_294 = arith.constant 0 : i32
        %dma_start3A_295 = arith.constant 0 : i32
        %dma_start3A_296 = tpu.memref_slice %arg5[%dma_start3A_294, %dma_start3A_295] : memref<21x128xf32, #tpu.memory_space<vmem_shared>> -> memref<21x128xf32, #tpu.memory_space<vmem_shared>>
        tpu.enqueue_indirect_dma source(%dma_start3A_296 : memref<21x128xf32, #tpu.memory_space<vmem_shared>>) target(%dma_start3A_290 : memref<128x128xf32, #tpu.memory_space<vmem>>) offsets(%dma_start3A_293 : memref<128xi32, #tpu.memory_space<vmem>>) semaphore(%arg12 : memref<!tpu.dma_semaphore, #tpu.memory_space<semaphore_mem>>)
      } else {
      }
      %mul3A_192 = arith.constant 4 : i32
      %mul3A_193 = arith.muli %scan3A_100, %mul3A_192 : i32
      %add3A_194 = arith.constant 2 : i32
      %add3A_195 = arith.addi %mul3A_193, %add3A_194 : i32
      %dma_wait3A_196 = arith.constant 0 : i32
      %dma_wait3A_197 = arith.constant 2 : i32
      %dma_wait3A_198 = arith.constant 0 : i32
      %dma_wait3A_199 = arith.constant 0 : i32
      %dma_wait3A_200 = tpu.memref_slice %arg7[%dma_wait3A_197, %dma_wait3A_198, %dma_wait3A_199] : memref<4x128x128xf32, #tpu.memory_space<vmem>> -> memref<1x128x128xf32, #tpu.memory_space<vmem>>
      %dma_wait3A_201 = tpu.memref_squeeze %dma_wait3A_200 : memref<1x128x128xf32, #tpu.memory_space<vmem>> -> memref<128x128xf32, #tpu.memory_space<vmem>>
      %dma_wait3A_202 = arith.constant 0 : i32
      %dma_wait3A_203 = tpu.memref_slice %arg6[%dma_wait3A_196, %dma_wait3A_202] : memref<128x128xi32, #tpu.memory_space<vmem>> -> memref<1x128xi32, #tpu.memory_space<vmem>>
      %dma_wait3A_204 = tpu.memref_squeeze %dma_wait3A_203 : memref<1x128xi32, #tpu.memory_space<vmem>> -> memref<128xi32, #tpu.memory_space<vmem>>
      %dma_wait3A_205 = arith.constant 0 : i32
      %dma_wait3A_206 = arith.constant 0 : i32
      %dma_wait3A_207 = tpu.memref_slice %arg5[%dma_wait3A_205, %dma_wait3A_206] : memref<21x128xf32, #tpu.memory_space<vmem_shared>> -> memref<21x128xf32, #tpu.memory_space<vmem_shared>>
      tpu.wait_indirect_dma semaphore(%arg11 : memref<!tpu.dma_semaphore, #tpu.memory_space<semaphore_mem>>) src(%dma_wait3A_207 : memref<21x128xf32, #tpu.memory_space<vmem_shared>>) dst(%dma_wait3A_201 : memref<128x128xf32, #tpu.memory_space<vmem>>)
      %add3A_208 = arith.addi %mul3A_2, %add3A_195 : i32
      %mul3A_209 = arith.constant 128 : i32
      %mul3A_210 = arith.muli %add3A_208, %mul3A_209 : i32
      %dma_start3A_211 = arith.constant 2 : i32
      %dma_start3A_212 = arith.constant 0 : i32
      %dma_start3A_213 = arith.constant 0 : i32
      %dma_start3A_214 = tpu.memref_slice %arg7[%dma_start3A_211, %dma_start3A_212, %dma_start3A_213] : memref<4x128x128xf32, #tpu.memory_space<vmem>> -> memref<1x128x128xf32, #tpu.memory_space<vmem>>
      %dma_start3A_215 = tpu.memref_squeeze %dma_start3A_214 : memref<1x128x128xf32, #tpu.memory_space<vmem>> -> memref<128x128xf32, #tpu.memory_space<vmem>>
      %dma_start3A_216 = arith.constant 0 : i32
      %dma_start3A_217 = tpu.memref_slice %arg4[%mul3A_210, %dma_start3A_216] : memref<524288x128xf32, #tpu.memory_space<hbm>> -> memref<128x128xf32, #tpu.memory_space<hbm>>
      %dma_start3A_218 = arith.constant 0 : i32
      %dma_start3A_219 = tpu.memref_slice %arg4[%mul3A_210, %dma_start3A_218] : memref<524288x128xf32, #tpu.memory_space<hbm>> -> memref<128x128xf32, #tpu.memory_space<hbm>>
      %dma_start3A_220 = arith.constant 0 : i32
      %dma_start3A_221 = arith.constant 0 : i32
      %dma_start3A_222 = tpu.memref_slice %arg7[%dma_start3A_211, %dma_start3A_220, %dma_start3A_221] : memref<4x128x128xf32, #tpu.memory_space<vmem>> -> memref<1x128x128xf32, #tpu.memory_space<vmem>>
      %dma_start3A_223 = tpu.memref_squeeze %dma_start3A_222 : memref<1x128x128xf32, #tpu.memory_space<vmem>> -> memref<128x128xf32, #tpu.memory_space<vmem>>
      tpu.enqueue_dma source(%dma_start3A_223 : memref<128x128xf32, #tpu.memory_space<vmem>>) target(%dma_start3A_219 : memref<128x128xf32, #tpu.memory_space<hbm>>) target_semaphore(%arg15 : memref<!tpu.dma_semaphore, #tpu.memory_space<semaphore_mem>>)
      %add3A_224 = arith.constant 2 : i32
      %add3A_225 = arith.addi %add3A_195, %add3A_224 : i32
      %ge3A_226 = arith.constant 4 : i32
      %ge3A_227 = arith.cmpi sge, %add3A_225, %ge3A_226 : i32
      %lt3A_228 = arith.constant 128 : i32
      %lt3A_229 = arith.cmpi slt, %add3A_225, %lt3A_228 : i32
      %and3A_230 = arith.andi %ge3A_227, %lt3A_229 : i1
      %convert_element_type3A_231 = arith.extui %and3A_230 : i1 to i32
      %cond3A_232 = arith.constant 0 : i32
      %cond3A_233 = arith.cmpi ne, %convert_element_type3A_231, %cond3A_232 : i32
      scf.if %cond3A_233 {
        %mul3A_286 = arith.constant 128 : i32
        %mul3A_287 = arith.muli %mul3A_2, %mul3A_286 : i32
        %dma_wait3A_288 = arith.constant 0 : i32
        %dma_wait3A_289 = arith.constant 0 : i32
        %dma_wait3A_290 = arith.constant 0 : i32
        %dma_wait3A_291 = tpu.memref_slice %arg7[%dma_wait3A_288, %dma_wait3A_289, %dma_wait3A_290] : memref<4x128x128xf32, #tpu.memory_space<vmem>> -> memref<1x128x128xf32, #tpu.memory_space<vmem>>
        %dma_wait3A_292 = tpu.memref_squeeze %dma_wait3A_291 : memref<1x128x128xf32, #tpu.memory_space<vmem>> -> memref<128x128xf32, #tpu.memory_space<vmem>>
        %dma_wait3A_293 = arith.constant 0 : i32
        %dma_wait3A_294 = tpu.memref_slice %arg4[%mul3A_287, %dma_wait3A_293] : memref<524288x128xf32, #tpu.memory_space<hbm>> -> memref<128x128xf32, #tpu.memory_space<hbm>>
        %dma_wait3A_295 = arith.constant 0 : i32
        %dma_wait3A_296 = tpu.memref_slice %arg4[%mul3A_287, %dma_wait3A_295] : memref<524288x128xf32, #tpu.memory_space<hbm>> -> memref<128x128xf32, #tpu.memory_space<hbm>>
        %dma_wait3A_297 = arith.constant 0 : i32
        %dma_wait3A_298 = arith.constant 0 : i32
        %dma_wait3A_299 = tpu.memref_slice %arg7[%dma_wait3A_288, %dma_wait3A_297, %dma_wait3A_298] : memref<4x128x128xf32, #tpu.memory_space<vmem>> -> memref<1x128x128xf32, #tpu.memory_space<vmem>>
        %dma_wait3A_300 = tpu.memref_squeeze %dma_wait3A_299 : memref<1x128x128xf32, #tpu.memory_space<vmem>> -> memref<128x128xf32, #tpu.memory_space<vmem>>
        tpu.wait_dma2 semaphore(%arg13 : memref<!tpu.dma_semaphore, #tpu.memory_space<semaphore_mem>>) src(%dma_wait3A_300 : memref<128x128xf32, #tpu.memory_space<vmem>>) dst(%dma_wait3A_296 : memref<128x128xf32, #tpu.memory_space<hbm>>)
      } else {
      }
      %lt3A_234 = arith.constant 128 : i32
      %lt3A_235 = arith.cmpi slt, %add3A_225, %lt3A_234 : i32
      %convert_element_type3A_236 = arith.extui %lt3A_235 : i1 to i32
      %cond3A_237 = arith.constant 0 : i32
      %cond3A_238 = arith.cmpi ne, %convert_element_type3A_236, %cond3A_237 : i32
      scf.if %cond3A_238 {
        %dma_start3A_286 = arith.constant 0 : i32
        %dma_start3A_287 = arith.constant 0 : i32
        %dma_start3A_288 = arith.constant 0 : i32
        %dma_start3A_289 = tpu.memref_slice %arg7[%dma_start3A_286, %dma_start3A_287, %dma_start3A_288] : memref<4x128x128xf32, #tpu.memory_space<vmem>> -> memref<1x128x128xf32, #tpu.memory_space<vmem>>
        %dma_start3A_290 = tpu.memref_squeeze %dma_start3A_289 : memref<1x128x128xf32, #tpu.memory_space<vmem>> -> memref<128x128xf32, #tpu.memory_space<vmem>>
        %dma_start3A_291 = arith.constant 0 : i32
        %dma_start3A_292 = tpu.memref_slice %arg6[%add3A_225, %dma_start3A_291] : memref<128x128xi32, #tpu.memory_space<vmem>> -> memref<1x128xi32, #tpu.memory_space<vmem>>
        %dma_start3A_293 = tpu.memref_squeeze %dma_start3A_292 : memref<1x128xi32, #tpu.memory_space<vmem>> -> memref<128xi32, #tpu.memory_space<vmem>>
        %dma_start3A_294 = arith.constant 0 : i32
        %dma_start3A_295 = arith.constant 0 : i32
        %dma_start3A_296 = tpu.memref_slice %arg5[%dma_start3A_294, %dma_start3A_295] : memref<21x128xf32, #tpu.memory_space<vmem_shared>> -> memref<21x128xf32, #tpu.memory_space<vmem_shared>>
        tpu.enqueue_indirect_dma source(%dma_start3A_296 : memref<21x128xf32, #tpu.memory_space<vmem_shared>>) target(%dma_start3A_290 : memref<128x128xf32, #tpu.memory_space<vmem>>) offsets(%dma_start3A_293 : memref<128xi32, #tpu.memory_space<vmem>>) semaphore(%arg9 : memref<!tpu.dma_semaphore, #tpu.memory_space<semaphore_mem>>)
      } else {
      }
      %mul3A_239 = arith.constant 4 : i32
      %mul3A_240 = arith.muli %scan3A_100, %mul3A_239 : i32
      %add3A_241 = arith.constant 3 : i32
      %add3A_242 = arith.addi %mul3A_240, %add3A_241 : i32
      %dma_wait3A_243 = arith.constant 0 : i32
      %dma_wait3A_244 = arith.constant 3 : i32
      %dma_wait3A_245 = arith.constant 0 : i32
      %dma_wait3A_246 = arith.constant 0 : i32
      %dma_wait3A_247 = tpu.memref_slice %arg7[%dma_wait3A_244, %dma_wait3A_245, %dma_wait3A_246] : memref<4x128x128xf32, #tpu.memory_space<vmem>> -> memref<1x128x128xf32, #tpu.memory_space<vmem>>
      %dma_wait3A_248 = tpu.memref_squeeze %dma_wait3A_247 : memref<1x128x128xf32, #tpu.memory_space<vmem>> -> memref<128x128xf32, #tpu.memory_space<vmem>>
      %dma_wait3A_249 = arith.constant 0 : i32
      %dma_wait3A_250 = tpu.memref_slice %arg6[%dma_wait3A_243, %dma_wait3A_249] : memref<128x128xi32, #tpu.memory_space<vmem>> -> memref<1x128xi32, #tpu.memory_space<vmem>>
      %dma_wait3A_251 = tpu.memref_squeeze %dma_wait3A_250 : memref<1x128xi32, #tpu.memory_space<vmem>> -> memref<128xi32, #tpu.memory_space<vmem>>
      %dma_wait3A_252 = arith.constant 0 : i32
      %dma_wait3A_253 = arith.constant 0 : i32
      %dma_wait3A_254 = tpu.memref_slice %arg5[%dma_wait3A_252, %dma_wait3A_253] : memref<21x128xf32, #tpu.memory_space<vmem_shared>> -> memref<21x128xf32, #tpu.memory_space<vmem_shared>>
      tpu.wait_indirect_dma semaphore(%arg12 : memref<!tpu.dma_semaphore, #tpu.memory_space<semaphore_mem>>) src(%dma_wait3A_254 : memref<21x128xf32, #tpu.memory_space<vmem_shared>>) dst(%dma_wait3A_248 : memref<128x128xf32, #tpu.memory_space<vmem>>)
      %add3A_255 = arith.addi %mul3A_2, %add3A_242 : i32
      %mul3A_256 = arith.constant 128 : i32
      %mul3A_257 = arith.muli %add3A_255, %mul3A_256 : i32
      %dma_start3A_258 = arith.constant 3 : i32
      %dma_start3A_259 = arith.constant 0 : i32
      %dma_start3A_260 = arith.constant 0 : i32
      %dma_start3A_261 = tpu.memref_slice %arg7[%dma_start3A_258, %dma_start3A_259, %dma_start3A_260] : memref<4x128x128xf32, #tpu.memory_space<vmem>> -> memref<1x128x128xf32, #tpu.memory_space<vmem>>
      %dma_start3A_262 = tpu.memref_squeeze %dma_start3A_261 : memref<1x128x128xf32, #tpu.memory_space<vmem>> -> memref<128x128xf32, #tpu.memory_space<vmem>>
      %dma_start3A_263 = arith.constant 0 : i32
      %dma_start3A_264 = tpu.memref_slice %arg4[%mul3A_257, %dma_start3A_263] : memref<524288x128xf32, #tpu.memory_space<hbm>> -> memref<128x128xf32, #tpu.memory_space<hbm>>
      %dma_start3A_265 = arith.constant 0 : i32
      %dma_start3A_266 = tpu.memref_slice %arg4[%mul3A_257, %dma_start3A_265] : memref<524288x128xf32, #tpu.memory_space<hbm>> -> memref<128x128xf32, #tpu.memory_space<hbm>>
      %dma_start3A_267 = arith.constant 0 : i32
      %dma_start3A_268 = arith.constant 0 : i32
      %dma_start3A_269 = tpu.memref_slice %arg7[%dma_start3A_258, %dma_start3A_267, %dma_start3A_268] : memref<4x128x128xf32, #tpu.memory_space<vmem>> -> memref<1x128x128xf32, #tpu.memory_space<vmem>>
      %dma_start3A_270 = tpu.memref_squeeze %dma_start3A_269 : memref<1x128x128xf32, #tpu.memory_space<vmem>> -> memref<128x128xf32, #tpu.memory_space<vmem>>
      tpu.enqueue_dma source(%dma_start3A_270 : memref<128x128xf32, #tpu.memory_space<vmem>>) target(%dma_start3A_266 : memref<128x128xf32, #tpu.memory_space<hbm>>) target_semaphore(%arg16 : memref<!tpu.dma_semaphore, #tpu.memory_space<semaphore_mem>>)
      %add3A_271 = arith.constant 2 : i32
      %add3A_272 = arith.addi %add3A_242, %add3A_271 : i32
      %ge3A_273 = arith.constant 4 : i32
      %ge3A_274 = arith.cmpi sge, %add3A_272, %ge3A_273 : i32
      %lt3A_275 = arith.constant 128 : i32
      %lt3A_276 = arith.cmpi slt, %add3A_272, %lt3A_275 : i32
      %and3A_277 = arith.andi %ge3A_274, %lt3A_276 : i1
      %convert_element_type3A_278 = arith.extui %and3A_277 : i1 to i32
      %cond3A_279 = arith.constant 0 : i32
      %cond3A_280 = arith.cmpi ne, %convert_element_type3A_278, %cond3A_279 : i32
      scf.if %cond3A_280 {
        %mul3A_286 = arith.constant 128 : i32
        %mul3A_287 = arith.muli %mul3A_2, %mul3A_286 : i32
        %dma_wait3A_288 = arith.constant 1 : i32
        %dma_wait3A_289 = arith.constant 0 : i32
        %dma_wait3A_290 = arith.constant 0 : i32
        %dma_wait3A_291 = tpu.memref_slice %arg7[%dma_wait3A_288, %dma_wait3A_289, %dma_wait3A_290] : memref<4x128x128xf32, #tpu.memory_space<vmem>> -> memref<1x128x128xf32, #tpu.memory_space<vmem>>
        %dma_wait3A_292 = tpu.memref_squeeze %dma_wait3A_291 : memref<1x128x128xf32, #tpu.memory_space<vmem>> -> memref<128x128xf32, #tpu.memory_space<vmem>>
        %dma_wait3A_293 = arith.constant 0 : i32
        %dma_wait3A_294 = tpu.memref_slice %arg4[%mul3A_287, %dma_wait3A_293] : memref<524288x128xf32, #tpu.memory_space<hbm>> -> memref<128x128xf32, #tpu.memory_space<hbm>>
        %dma_wait3A_295 = arith.constant 0 : i32
        %dma_wait3A_296 = tpu.memref_slice %arg4[%mul3A_287, %dma_wait3A_295] : memref<524288x128xf32, #tpu.memory_space<hbm>> -> memref<128x128xf32, #tpu.memory_space<hbm>>
        %dma_wait3A_297 = arith.constant 0 : i32
        %dma_wait3A_298 = arith.constant 0 : i32
        %dma_wait3A_299 = tpu.memref_slice %arg7[%dma_wait3A_288, %dma_wait3A_297, %dma_wait3A_298] : memref<4x128x128xf32, #tpu.memory_space<vmem>> -> memref<1x128x128xf32, #tpu.memory_space<vmem>>
        %dma_wait3A_300 = tpu.memref_squeeze %dma_wait3A_299 : memref<1x128x128xf32, #tpu.memory_space<vmem>> -> memref<128x128xf32, #tpu.memory_space<vmem>>
        tpu.wait_dma2 semaphore(%arg14 : memref<!tpu.dma_semaphore, #tpu.memory_space<semaphore_mem>>) src(%dma_wait3A_300 : memref<128x128xf32, #tpu.memory_space<vmem>>) dst(%dma_wait3A_296 : memref<128x128xf32, #tpu.memory_space<hbm>>)
      } else {
      }
      %lt3A_281 = arith.constant 128 : i32
      %lt3A_282 = arith.cmpi slt, %add3A_272, %lt3A_281 : i32
      %convert_element_type3A_283 = arith.extui %lt3A_282 : i1 to i32
      %cond3A_284 = arith.constant 0 : i32
      %cond3A_285 = arith.cmpi ne, %convert_element_type3A_283, %cond3A_284 : i32
      scf.if %cond3A_285 {
        %dma_start3A_286 = arith.constant 1 : i32
        %dma_start3A_287 = arith.constant 0 : i32
        %dma_start3A_288 = arith.constant 0 : i32
        %dma_start3A_289 = tpu.memref_slice %arg7[%dma_start3A_286, %dma_start3A_287, %dma_start3A_288] : memref<4x128x128xf32, #tpu.memory_space<vmem>> -> memref<1x128x128xf32, #tpu.memory_space<vmem>>
        %dma_start3A_290 = tpu.memref_squeeze %dma_start3A_289 : memref<1x128x128xf32, #tpu.memory_space<vmem>> -> memref<128x128xf32, #tpu.memory_space<vmem>>
        %dma_start3A_291 = arith.constant 0 : i32
        %dma_start3A_292 = tpu.memref_slice %arg6[%add3A_272, %dma_start3A_291] : memref<128x128xi32, #tpu.memory_space<vmem>> -> memref<1x128xi32, #tpu.memory_space<vmem>>
        %dma_start3A_293 = tpu.memref_squeeze %dma_start3A_292 : memref<1x128xi32, #tpu.memory_space<vmem>> -> memref<128xi32, #tpu.memory_space<vmem>>
        %dma_start3A_294 = arith.constant 0 : i32
        %dma_start3A_295 = arith.constant 0 : i32
        %dma_start3A_296 = tpu.memref_slice %arg5[%dma_start3A_294, %dma_start3A_295] : memref<21x128xf32, #tpu.memory_space<vmem_shared>> -> memref<21x128xf32, #tpu.memory_space<vmem_shared>>
        tpu.enqueue_indirect_dma source(%dma_start3A_296 : memref<21x128xf32, #tpu.memory_space<vmem_shared>>) target(%dma_start3A_290 : memref<128x128xf32, #tpu.memory_space<vmem>>) offsets(%dma_start3A_293 : memref<128xi32, #tpu.memory_space<vmem>>) semaphore(%arg10 : memref<!tpu.dma_semaphore, #tpu.memory_space<semaphore_mem>>)
      } else {
      }
    }
    %scan3A_39 = arith.constant 32 : i32
    %mul3A_40 = arith.constant 128 : i32
    %mul3A_41 = arith.muli %mul3A_2, %mul3A_40 : i32
    %dma_wait3A_42 = arith.constant 0 : i32
    %dma_wait3A_43 = arith.constant 0 : i32
    %dma_wait3A_44 = arith.constant 0 : i32
    %dma_wait3A_45 = tpu.memref_slice %arg7[%dma_wait3A_42, %dma_wait3A_43, %dma_wait3A_44] : memref<4x128x128xf32, #tpu.memory_space<vmem>> -> memref<1x128x128xf32, #tpu.memory_space<vmem>>
    %dma_wait3A_46 = tpu.memref_squeeze %dma_wait3A_45 : memref<1x128x128xf32, #tpu.memory_space<vmem>> -> memref<128x128xf32, #tpu.memory_space<vmem>>
    %dma_wait3A_47 = arith.constant 0 : i32
    %dma_wait3A_48 = tpu.memref_slice %arg4[%mul3A_41, %dma_wait3A_47] : memref<524288x128xf32, #tpu.memory_space<hbm>> -> memref<128x128xf32, #tpu.memory_space<hbm>>
    %dma_wait3A_49 = arith.constant 0 : i32
    %dma_wait3A_50 = tpu.memref_slice %arg4[%mul3A_41, %dma_wait3A_49] : memref<524288x128xf32, #tpu.memory_space<hbm>> -> memref<128x128xf32, #tpu.memory_space<hbm>>
    %dma_wait3A_51 = arith.constant 0 : i32
    %dma_wait3A_52 = arith.constant 0 : i32
    %dma_wait3A_53 = tpu.memref_slice %arg7[%dma_wait3A_42, %dma_wait3A_51, %dma_wait3A_52] : memref<4x128x128xf32, #tpu.memory_space<vmem>> -> memref<1x128x128xf32, #tpu.memory_space<vmem>>
    %dma_wait3A_54 = tpu.memref_squeeze %dma_wait3A_53 : memref<1x128x128xf32, #tpu.memory_space<vmem>> -> memref<128x128xf32, #tpu.memory_space<vmem>>
    tpu.wait_dma2 semaphore(%arg13 : memref<!tpu.dma_semaphore, #tpu.memory_space<semaphore_mem>>) src(%dma_wait3A_54 : memref<128x128xf32, #tpu.memory_space<vmem>>) dst(%dma_wait3A_50 : memref<128x128xf32, #tpu.memory_space<hbm>>)
    %mul3A_55 = arith.constant 128 : i32
    %mul3A_56 = arith.muli %mul3A_2, %mul3A_55 : i32
    %dma_wait3A_57 = arith.constant 1 : i32
    %dma_wait3A_58 = arith.constant 0 : i32
    %dma_wait3A_59 = arith.constant 0 : i32
    %dma_wait3A_60 = tpu.memref_slice %arg7[%dma_wait3A_57, %dma_wait3A_58, %dma_wait3A_59] : memref<4x128x128xf32, #tpu.memory_space<vmem>> -> memref<1x128x128xf32, #tpu.memory_space<vmem>>
    %dma_wait3A_61 = tpu.memref_squeeze %dma_wait3A_60 : memref<1x128x128xf32, #tpu.memory_space<vmem>> -> memref<128x128xf32, #tpu.memory_space<vmem>>
    %dma_wait3A_62 = arith.constant 0 : i32
    %dma_wait3A_63 = tpu.memref_slice %arg4[%mul3A_56, %dma_wait3A_62] : memref<524288x128xf32, #tpu.memory_space<hbm>> -> memref<128x128xf32, #tpu.memory_space<hbm>>
    %dma_wait3A_64 = arith.constant 0 : i32
    %dma_wait3A_65 = tpu.memref_slice %arg4[%mul3A_56, %dma_wait3A_64] : memref<524288x128xf32, #tpu.memory_space<hbm>> -> memref<128x128xf32, #tpu.memory_space<hbm>>
    %dma_wait3A_66 = arith.constant 0 : i32
    %dma_wait3A_67 = arith.constant 0 : i32
    %dma_wait3A_68 = tpu.memref_slice %arg7[%dma_wait3A_57, %dma_wait3A_66, %dma_wait3A_67] : memref<4x128x128xf32, #tpu.memory_space<vmem>> -> memref<1x128x128xf32, #tpu.memory_space<vmem>>
    %dma_wait3A_69 = tpu.memref_squeeze %dma_wait3A_68 : memref<1x128x128xf32, #tpu.memory_space<vmem>> -> memref<128x128xf32, #tpu.memory_space<vmem>>
    tpu.wait_dma2 semaphore(%arg14 : memref<!tpu.dma_semaphore, #tpu.memory_space<semaphore_mem>>) src(%dma_wait3A_69 : memref<128x128xf32, #tpu.memory_space<vmem>>) dst(%dma_wait3A_65 : memref<128x128xf32, #tpu.memory_space<hbm>>)
    %mul3A_70 = arith.constant 128 : i32
    %mul3A_71 = arith.muli %mul3A_2, %mul3A_70 : i32
    %dma_wait3A_72 = arith.constant 2 : i32
    %dma_wait3A_73 = arith.constant 0 : i32
    %dma_wait3A_74 = arith.constant 0 : i32
    %dma_wait3A_75 = tpu.memref_slice %arg7[%dma_wait3A_72, %dma_wait3A_73, %dma_wait3A_74] : memref<4x128x128xf32, #tpu.memory_space<vmem>> -> memref<1x128x128xf32, #tpu.memory_space<vmem>>
    %dma_wait3A_76 = tpu.memref_squeeze %dma_wait3A_75 : memref<1x128x128xf32, #tpu.memory_space<vmem>> -> memref<128x128xf32, #tpu.memory_space<vmem>>
    %dma_wait3A_77 = arith.constant 0 : i32
    %dma_wait3A_78 = tpu.memref_slice %arg4[%mul3A_71, %dma_wait3A_77] : memref<524288x128xf32, #tpu.memory_space<hbm>> -> memref<128x128xf32, #tpu.memory_space<hbm>>
    %dma_wait3A_79 = arith.constant 0 : i32
    %dma_wait3A_80 = tpu.memref_slice %arg4[%mul3A_71, %dma_wait3A_79] : memref<524288x128xf32, #tpu.memory_space<hbm>> -> memref<128x128xf32, #tpu.memory_space<hbm>>
    %dma_wait3A_81 = arith.constant 0 : i32
    %dma_wait3A_82 = arith.constant 0 : i32
    %dma_wait3A_83 = tpu.memref_slice %arg7[%dma_wait3A_72, %dma_wait3A_81, %dma_wait3A_82] : memref<4x128x128xf32, #tpu.memory_space<vmem>> -> memref<1x128x128xf32, #tpu.memory_space<vmem>>
    %dma_wait3A_84 = tpu.memref_squeeze %dma_wait3A_83 : memref<1x128x128xf32, #tpu.memory_space<vmem>> -> memref<128x128xf32, #tpu.memory_space<vmem>>
    tpu.wait_dma2 semaphore(%arg15 : memref<!tpu.dma_semaphore, #tpu.memory_space<semaphore_mem>>) src(%dma_wait3A_84 : memref<128x128xf32, #tpu.memory_space<vmem>>) dst(%dma_wait3A_80 : memref<128x128xf32, #tpu.memory_space<hbm>>)
    %mul3A_85 = arith.constant 128 : i32
    %mul3A_86 = arith.muli %mul3A_2, %mul3A_85 : i32
    %dma_wait3A_87 = arith.constant 3 : i32
    %dma_wait3A_88 = arith.constant 0 : i32
    %dma_wait3A_89 = arith.constant 0 : i32
    %dma_wait3A_90 = tpu.memref_slice %arg7[%dma_wait3A_87, %dma_wait3A_88, %dma_wait3A_89] : memref<4x128x128xf32, #tpu.memory_space<vmem>> -> memref<1x128x128xf32, #tpu.memory_space<vmem>>
    %dma_wait3A_91 = tpu.memref_squeeze %dma_wait3A_90 : memref<1x128x128xf32, #tpu.memory_space<vmem>> -> memref<128x128xf32, #tpu.memory_space<vmem>>
    %dma_wait3A_92 = arith.constant 0 : i32
    %dma_wait3A_93 = tpu.memref_slice %arg4[%mul3A_86, %dma_wait3A_92] : memref<524288x128xf32, #tpu.memory_space<hbm>> -> memref<128x128xf32, #tpu.memory_space<hbm>>
    %dma_wait3A_94 = arith.constant 0 : i32
    %dma_wait3A_95 = tpu.memref_slice %arg4[%mul3A_86, %dma_wait3A_94] : memref<524288x128xf32, #tpu.memory_space<hbm>> -> memref<128x128xf32, #tpu.memory_space<hbm>>
    %dma_wait3A_96 = arith.constant 0 : i32
    %dma_wait3A_97 = arith.constant 0 : i32
    %dma_wait3A_98 = tpu.memref_slice %arg7[%dma_wait3A_87, %dma_wait3A_96, %dma_wait3A_97] : memref<4x128x128xf32, #tpu.memory_space<vmem>> -> memref<1x128x128xf32, #tpu.memory_space<vmem>>
    %dma_wait3A_99 = tpu.memref_squeeze %dma_wait3A_98 : memref<1x128x128xf32, #tpu.memory_space<vmem>> -> memref<128x128xf32, #tpu.memory_space<vmem>>
    tpu.wait_dma2 semaphore(%arg16 : memref<!tpu.dma_semaphore, #tpu.memory_space<semaphore_mem>>) src(%dma_wait3A_99 : memref<128x128xf32, #tpu.memory_space<vmem>>) dst(%dma_wait3A_95 : memref<128x128xf32, #tpu.memory_space<hbm>>)
    return
  }
}

</mosaic_0001>

<sc_bundles>
// kernel: kernel.3.cloned.1.call-start
scs
__scs_entry_jumppad:
0x0: {  	(pc) =	sbr.rel $0x88, $3  }
0x1: {  	(tag) =	ssettag $0x0;
	lr =	simm.s32 $0x1  }
0x2: {  	[smem:$0x3F9F] =	sst lr;
	_ =	strace $0xD0000000  }
0x3: {  	_ = 	snop  }
0x4: {  	_ = 	snop  }
0x5: {  	_ = 	snop  }
0x6: {  	_ = 	snop  }
0x7: {  	_ = 	snop  }
__scs_overlays_trampoline_lowered:
0x8: {  	[smem:$0x3FAE] =	sst s0  }
0x9: {  	[smem:$0x3FAF] =	sst s1  }
0xa: {  	[smem:$0x3FB0] =	sst s2  }
0xb: {  	[smem:$0x3FB1] =	sst s3  }
0xc: {  	[smem:$0x3FB2] =	sst s4  }
0xd: {  	[smem:$0x3FB3] =	sst s5  }
0xe: {  	[smem:$0x3FB4] =	sst s6  }
0xf: {  	[smem:$0x3FB5] =	sst s7  }
0x10: {  	[smem:$0x3FB6] =	sst s8  }
0x11: {  	[smem:$0x3FB7] =	sst s9;
	s0 =	simm.s32 @!p0 $0x0  }
0x12: {  	s1 =	sld [smem:$0x3F9D];
	s0 =	simm.s32 @p0 $0x1  }
0x13: {  	[smem:$0x3FB8] =	sst s0;
	s0 =	simm.s32 @!p1 $0x0  }
0x14: {  	s2 =	sld [smem:$0x3F9C];
	s0 =	simm.s32 @p1 $0x1  }
0x15: {  	[smem:$0x3FB9] =	sst s0;
	s0 =	simm.s32 @!p2 $0x0  }
0x16: {  	s3 =	sld [smem:$0x3FDB];
	s0 =	simm.s32 @p2 $0x1  }
0x17: {  	s4 =	simm.s32 $0x1BF5;
	[smem:$0x3FBB] =	sst s0  }
0x18: {  	s0 =	sld [smem:$0x3F9E];
	_ =	swait.ge [sflag:s4], $0x0  }
0x19: {  	s7 =	sld [smem:$0x3F9F]  }
0x1a: {  	s8 =	sadd.s32 $0xFFFFE003, lr  }
0x1b: {  	s9 =	sadd.s32 $0xFFFFFEF7, lr;
	s5 =	simm.s32 $0xFFFFFFFF;
	p2 =	slt.u32 s8, $0xFFFFF086  }
0x1c: {  	p1 =	slt.u32 s9, $0xF7A;
	s5 =	simm.s32 @!p2 $0x0  }
0x1d: {  	s5 =	simm.s32 @p1 $0x1;
	p0 =	seq.s32 s7, s2  }
0x1e: {  	s7 =	smul.u32 @!p0 $0xF7A, s2;
	p2 =	seq.s32 @!p0 s5, $0x0  }
0x1f: {  	s9 =	smul.u32 $0xF7A, s1;
	s8 =	simm.s32 @!p0 $0x1BF5;
	p2 =	por !p2, p0  }
0x20: {  	[sflag:s8] =	ssyncset.s32 @!p0 $0xFFFFF086;
	s6 =	sadd.s32 @!p0 s3, s7;
	s7 =	simm.s32 @!p0 $0x108  }
0x21: {  	s3 =	sadd.s32 s3, s9;
	s6 =	sadd.s32 @!p0 $0x88, s6;
	s7 =	simm.s32 @p2 $0x1082  }
0x22: {  	[simem:s7], [sflag:s8] =	dma.local @!p0 [hbm:s6], $0xF7A  }
0x23: {  	s9 =	sor.u32 $0xD0000000, s2;
	s6 =	simm.s32 $0x108;
	_ =	swait.ge @!p0 [sflag:s8], $0x0  }
0x24: {  	s3 =	sadd.s32 $0x88, s3;
	s6 =	simm.s32 @!p1 $0x1082;
	[sflag:s4] =	ssyncset.s32 $0xFFFFF086  }
0x25: {  	[simem:s6], [sflag:s4] =	dma.local [hbm:s3], $0xF7A  }
0x26: {  	[smem:$0x3F9F] =	sst s1;
	(tag) =	ssettag s2;
	_ =	strace s9  }
0x27: {  	s1 =	sld [smem:$0x3FAF]  }
0x28: {  	s2 =	sld [smem:$0x3FB0]  }
0x29: {  	s4 =	sld [smem:$0x3FB2]  }
0x2a: {  	p0 =	seq.s32 s5, $0x0;
	s5 =	sld [smem:$0x3FB3]  }
0x2b: {  	s6 =	sld [smem:$0x3FB4]  }
0x2c: {  	s7 =	sld [smem:$0x3FB5]  }
0x2d: {  	s3 =	simm.s32 $0x108;
	s8 =	sld [smem:$0x3FB6]  }
0x2e: {  	s3 =	simm.s32 @!p0 $0x1082;
	s9 =	sld [smem:$0x3FB7]  }
0x2f: {  	lr =	sadd.s32 s0, s3;
	s0 =	sld [smem:$0x3FAE]  }
0x30: {  	s3 =	sld [smem:$0x3FB1]  }
0x31: {  	[smem:$0x3FBA] =	sst s10  }
0x32: {  	s10 =	sld [smem:$0x3FB8];
	_ =	sdelay $0x3  }
0x33: {  	p0 =	seq.s32 s10, $0x1;
	s10 =	sld [smem:$0x3FBA];
	_ =	sdelay $0x3  }
0x34: {  	[smem:$0x3FBA] =	sst s10  }
0x35: {  	s10 =	sld [smem:$0x3FB9];
	_ =	sdelay $0x3  }
0x36: {  	p1 =	seq.s32 s10, $0x1;
	s10 =	sld [smem:$0x3FBA];
	_ =	sdelay $0x3  }
0x37: {  	[smem:$0x3FBA] =	sst s10  }
0x38: {  	s10 =	sld [smem:$0x3FBB]  }
0x39: {  	_ = 	snop;
	(pc) =	sbr.ind lr, $3  }
0x3a: {  	_ = 	snop  }
0x3b: {  	_ = 	snop  }
0x3c: {  	p2 =	seq.s32 s10, $0x1;
	s10 =	sld [smem:$0x3FBA]  }
0x3d: {  	_ =	shalt  }
0x3e: {  	_ =	shalt  }
0x3f: {  	_ =	shalt  }
0x40: {  	_ =	shalt  }
0x41: {  	_ =	shalt  }
0x42: {  	_ =	shalt  }
0x43: {  	_ =	shalt  }
0x44: {  	_ =	shalt  }
0x45: {  	_ =	shalt  }
0x46: {  	_ =	shalt  }
0x47: {  	_ =	shalt  }
0x48: {  	_ =	shalt  }
0x49: {  	_ =	shalt  }
0x4a: {  	_ =	shalt  }
0x4b: {  	_ =	shalt  }
0x4c: {  	_ =	shalt  }
0x4d: {  	_ =	shalt  }
0x4e: {  	_ =	shalt  }
0x4f: {  	_ =	shalt  }
0x50: {  	_ =	shalt  }
0x51: {  	_ =	shalt  }
0x52: {  	_ =	shalt  }
0x53: {  	_ =	shalt  }
0x54: {  	_ =	shalt  }
0x55: {  	_ =	shalt  }
0x56: {  	_ =	shalt  }
0x57: {  	_ =	shalt  }
0x58: {  	_ =	shalt  }
0x59: {  	_ =	shalt  }
0x5a: {  	_ =	shalt  }
0x5b: {  	_ =	shalt  }
0x5c: {  	_ =	shalt  }
0x5d: {  	_ =	shalt  }
0x5e: {  	_ =	shalt  }
0x5f: {  	_ =	shalt  }
0x60: {  	_ =	shalt  }
0x61: {  	_ =	shalt  }
0x62: {  	_ =	shalt  }
0x63: {  	_ =	shalt  }
0x64: {  	_ =	shalt  }
0x65: {  	_ =	shalt  }
0x66: {  	_ =	shalt  }
0x67: {  	_ =	shalt  }
0x68: {  	_ =	shalt  }
0x69: {  	_ =	shalt  }
0x6a: {  	_ =	shalt  }
0x6b: {  	_ =	shalt  }
0x6c: {  	_ =	shalt  }
0x6d: {  	_ =	shalt  }
0x6e: {  	_ =	shalt  }
0x6f: {  	_ =	shalt  }
0x70: {  	_ =	shalt  }
0x71: {  	_ =	shalt  }
0x72: {  	_ =	shalt  }
0x73: {  	_ =	shalt  }
0x74: {  	_ =	shalt  }
0x75: {  	_ =	shalt  }
0x76: {  	_ =	shalt  }
0x77: {  	_ =	shalt  }
0x78: {  	_ =	shalt  }
0x79: {  	_ =	shalt  }
0x7a: {  	_ =	shalt  }
0x7b: {  	_ =	shalt  }
0x7c: {  	_ =	shalt  }
0x7d: {  	_ =	shalt  }
0x7e: {  	_ =	shalt  }
0x7f: {  	_ =	shalt  }
0x80: {  	_ =	shalt  }
0x81: {  	_ =	shalt  }
0x82: {  	_ =	shalt  }
0x83: {  	_ =	shalt  }
0x84: {  	_ =	shalt  }
0x85: {  	_ =	shalt  }
0x86: {  	_ =	shalt  }
0x87: {  	_ =	shalt  }
.Lfunc_end0:
.L_simem_size_0:
called_computation_lowered:
.L_overlay_start_0:
0x88: {  	s2 =	sld [smem:$0x3FD9]  }
0x89: {  	s3 =	sld [smem:$0x3FFE];
	_ =	sdelay $0x1  }
0x8a: {  	s1 =	srdreg.scid  }
0x8b: {  	s0 =	sand.u32 $0x1, s1  }
0x8c: {  	s18 =	sshll.u32 s0, $0xA;
	s2 =	sadd.s32 s3, s2  }
0x8d: {  	s2 =	sadd.s32 s2, s18  }
0x8e: {  	[smem:$0x3FC6] =	sst s2  }
0x8f: {  	_ = 	snop  }
0x90: {  	s2 =	sld [smem:$0x3FC9]  }
0x91: {  	s19 =	sld [smem:$0x3FC8]  }
0x92: {  	s4 =	sld [smem:$0x3FD0];
	(tm) =	ssettm $0x1  }
0x93: {  	s5 =	sld [smem:$0x3FFB];
	_ =	sdelay $0x3  }
0x94: {  	_ =	strace s5  }
0x95: {  	s5 =	sld [smem:$0x3FFC];
	_ =	sdelay $0x3  }
0x96: {  	_ =	strace s5  }
0x97: {  	s5 =	sld [smem:$0x3FFD];
	_ =	sdelay $0x3  }
0x98: {  	_ =	strace s5  }
0x99: {  	_ =	strace $0x8FFFFFFF  }
0x9a: {  	s20 =	sld [smem:$0x3FDB];
	_ =	sdelay $0x1  }
0x9b: {  	s6 =	simm.s32 $_scs_section_size  }
0x9c: {  	s7 =	simm.s32 $_size__tile_overlayer_lowered;
	s8 =	simm.s32 $_tile_overlayer_lowered  }
0x9d: {  	s23 =	simm.s32 $0x1BFF;
	s22 =	sshll.u32 s8, $0x1;
	s5 =	sadd.s32 s6, s20  }
0x9e: {  	s9 =	simm.s32 $0x0;
	s21 =	sshll.u32 s7, $0x1;
	s7 =	sadd.s32 s22, s5  }
0x9f: {  	[timem:s9], [sflag:s23] =	dma.local [hbm:s7], s21  }
0xa0: {  	_ =	swait.ge [sflag:s23], s21  }
0xa1: {  	s6 =	ssub.s32 $0x0, s21;
	[sflag:s23] =	ssyncset.done $0x0  }
0xa2: {  	[sflag:s23] =	ssyncadd.s32 s6;
	_ =	sdelay $0x1  }
0xa3: {  	s24 =	simm.s32 $0x1B8B  }
0xa4: {  	_ =	swait.ge [sflag:s24], $0x1  }
0xa5: {  	[sflag:s24] =	ssyncset.done $0x0  }
0xa6: {  	s25 =	simm.s32 $0x1B8E;
	[sflag:s24] =	ssyncadd.s32 $0xFFFFFFFF  }
0xa7: {  	s26 =	simm.s32 $execute0_lowered;
	[smem:$0x3FD2] =	sst s25  }
0xa8: {  	s6 =	sshll.u32 s26, $0x1;
	_ =	strace $0x80000046;
	[dreg:$0x1] =	wrdreg $0xFFFFFFFF  }
0xa9: {  	s28 =	simm.s32 $_size_execute0_lowered;
	s5 =	sadd.s32 s5, s6;
	[dreg:$0x0] =	wrdreg $0x0  }
0xaa: {  	s6 =	sshll.u32 s28, $0x1;
	[dreg:$0x2] =	wrdreg s5  }
0xab: {  	[dreg:$0x3] =	wrdreg s6  }
0xac: {  	[dreg:$0x4] =	wrdreg $0xC0  }
0xad: {  	_ =	task [dreg:s9], $0x5FFFF  }
0xae: {  	[dreg:$0x1] =	wrdreg $0xFFFFFFFF  }
0xaf: {  	[dreg:$0x0] =	wrdreg $0x60  }
0xb0: {  	[dreg:$0x2] =	wrdreg s19  }
0xb1: {  	[dreg:$0x3] =	wrdreg s2  }
0xb2: {  	[dreg:$0x4] =	wrdreg s4  }
0xb3: {  	[dreg:$0x5] =	wrdreg $0x0  }
0xb4: {  	[dreg:$0x6] =	wrdreg $0x9  }
0xb5: {  	_ =	task.clear_ibuf [dreg:s9], $0x7FFFF;
	_ =	strace $0x90000046  }
0xb6: {  	s29 =	simm.s32 $0x9;
	_ =	strace $0x80000048  }
0xb7: {  	_ =	swait.ge [sflag:s29], $0x1  }
0xb8: {  	[sflag:s29] =	ssyncadd.s32 $0xFFFFFFFF  }
0xb9: {  	_ =	strace $0x90000048  }
0xba: {  	_ =	sfence  }
0xbb: {  	s30 =	sld [smem:$0x0];
	_ =	sdelay $0x2  }
0xbc: {  	s31 =	sshll.u32 s1, $0xD;
	s1 =	sshrl.u32 s1, $0x2  }
0xbd: {  	s3 =	sand.u32 $0x4000, s31;
	s1 =	sadd.s32 s1, s30  }
0xbe: {  	s0 =	sor.u32 s3, s0;
	s1 =	sshll.u32 s1, $0x11  }
0xbf: {  	s0 =	sor.u32 s1, s0  }
0xc0: {  	s0 =	sadd.s32 $0x8F2B, s0  }
0xc1: {  	[sflag:s0] =	ssyncadd.remote.s32 $0x1  }
0xc2: {  	_ =	sfence.sel $0xFFFF  }
0xc3: {  	[dreg:$0x0] =	wrdreg $0xFFFFFFFF;
	(pc) =	sbr.abs _section_cstart, $3  }
0xc4: {  	[dreg:$0x1] =	wrdreg $0xFFFFFFFF  }
0xc5: {  	_ =	task.clear_ibuf [dreg:s9], $0x2FFFF;
	_ =	strace $0x9FFFFFFF  }
0xc6: {  	(tm) =	ssettm $0x7FFFFFFF  }
0xc7: {  	_ =	shalt  }
tec
execute0_lowered:
.L_overlay_start_1:
0x0: {  	(tag) =	ssettag $0x1  }
0x1: {  	s0 =	rddreg [dreg:$0x1]  }
0x2: {  	s1 =	rddreg [dreg:$0x2]  }
0x3: {  	s2 =	rddreg [dreg:$0x3]  }
0x4: {  	s3 =	srdreg.scid;
	s11 =	stileid.u32;
	s12 =	simm.s32 $0xA8  }
0x5: {  	s13 =	simm.s32 $0x1;
	s14 =	simm.s32 $0x80;
	s15 =	simm.s32 $0x40A8  }
0x6: {  	s17 =	simm.s32 $0x80A8;
	s18 =	simm.s32 $0x2;
	s20 =	simm.s32 $0xC0A8  }
0x7: {  	s21 =	simm.s32 $0x3;
	s28 =	simm.s32 $0x5;
	s29 =	simm.s32 $0x7  }
0x8: {  	s30 =	simm.s32 $0x328;
	s31 =	simm.s32 $0x8;
	s8 =	sand.u32 $0x1, s3  }
0x9: {  	s3 =	simm.s32 $0x0;
	s4 =	sshll.u32 s11, $0x8;
	s25 =	sshll.u32 s11, $0x13  }
0xa: {  	p0 =	sne.s32 s11, $0x0;
	s5 =	sshll.u32 s8, $0x7;
	[smem:$0x7FF] =	sst s3  }
0xb: {  	s6 =	ssub.s32 $0x2, s8;
	s26 =	sshll.u32 s8, $0x12;
	s4 =	sor.u32 s5, s4  }
0xc: {  	_ =	strace $0x80000047;
	s23 =	sshrl.u32 s6, $0x1;
	s7 =	sshll.u32 s4, $0xB  }
0xd: {  	s9 =	ssub.s32 s6, s23;
	s24 =	sshll.u32 s4, $0x4;
	s23 =	simm.s32 $0x100A8  }
.Ltmp0:
0xe: {  	s4 =	sadd.s32 s1, s7;
	s5 =	sadd.s32 s0, s24;
	(pc) =	sbr.rel .LBB2_1-.Ltmp0, $4  }
0xf: {  	s7 =	smax.u32 s9, $0x1;
	s0 =	sadd.s32 s25, s1;
	s24 =	simm.s32 $0x4  }
0x10: {  	s25 =	simm.s32 $0x6;
	s1 =	simm.s32 $0x0;
	s6 =	sadd.s32 $0x3F800, s4  }
0x11: {  	s8 =	sadd.s32 $0x800, s4;
	s9 =	sadd.s32 $0x1000, s4;
	s0 =	sadd.s32 s26, s0  }
0x12: {  	s10 =	sadd.s32 $0x1800, s4;
	s16 =	sadd.s32 $0x2000, s0;
	s0 =	simm.s32 $0x9  }
.LBB2_4:
0x13: {  	_ =	swait.ge [sflag:s28], $0x4000  }
0x14: {  	[sflag:s28] =	ssyncset.done $0x0  }
0x15: {  	[sflag:s28] =	ssyncadd.s32 $0xFFFFC000  }
0x16: {  	[hbm4b:s6+s3] =	stream.linear.scatter [tilespmem:s23], [sflag:$0x9], $0x4000, $0x38;
	[tilespmem:$0x140A8] =	vst v63  }
0x17: {  	_ =	swait.ge [sflag:s25], $0x4000  }
0x18: {  	[sflag:s25] =	ssyncset.done $0x0  }
0x19: {  	[sflag:s25] =	ssyncadd.s32 $0xFFFFC000  }
0x1a: {  	_ =	swait.ge [sflag:s29], $0x4000  }
0x1b: {  	[sflag:s29] =	ssyncset.done $0x0  }
0x1c: {  	s1 =	sadd.s32 $0x1, s1;
	[sflag:s29] =	ssyncadd.s32 $0xFFFFC000  }
0x1d: {  	p1 =	sne.s32 s1, s7;
	_ =	swait.ge [sflag:s31], $0x4000  }
.Ltmp1:
0x1e: {  	[sflag:s31] =	ssyncset.done $0x0;
	(pc) =	sbr.rel @!p1 .LBB2_5-.Ltmp1, $4  }
0x1f: {  	[sflag:s31] =	ssyncadd.s32 $0xFFFFC000  }
0x20: {  	_ =	swait.ge [sflag:s0], $0x4000  }
0x21: {  	[sflag:s0] =	ssyncset.done $0x0  }
0x22: {  	[sflag:s0] =	ssyncadd.s32 $0xFFFFC000  }
.LBB2_1:
0x23: {  	[tilespmem:s12], [sflag:$0x1] =	stream.linear.gather [hbm4b:s5+s3], $0x4000, $0x38;
	[tilespmem:$0x140A8] =	vst v63  }
0x24: {  	s11 =	simm.s32 @!p0 $0x0;
	s19 =	simm.s32 @!p0 $0x40A8;
	s22 =	rddreg [dreg:$0x0]  }
0x25: {  	[tilespmem:s19], [sflag:$0xA] =	stream.linear.gather @!p0 [hbm4b:s22+s11], $0xA80, $0x38;
	[tilespmem:$0x140A8] =	vst v63  }
0x26: {  	s11 =	simm.s32 @!p0 $0xA  }
0x27: {  	_ =	swait.ge @!p0 [sflag:s11], $0xA80  }
0x28: {  	[sflag:s11] =	ssyncset.done @!p0 $0x0  }
0x29: {  	[sflag:s11] =	ssyncadd.s32 @!p0 $0xFFFFF580  }
0x2a: {  	[spmem:s2] =	stream.linear.scatter @!p0 [tilespmem:s19], [sflag:$0xA], $0xA80, $0x38;
	[tilespmem:$0x140A8] =	vst v63  }
0x2b: {  	_ =	swait.ge @!p0 [sflag:s11], $0xA80  }
0x2c: {  	[sflag:s11] =	ssyncset.done @!p0 $0x0  }
0x2d: {  	[sflag:s11] =	ssyncadd.s32 @!p0 $0xFFFFF580  }
0x2e: {  	[bflag:$0x0] =	sbarrier.arrive $0xFFFF  }
0x2f: {  	_ =	swait.ge [sflag:s13], $0x4000  }
0x30: {  	[sflag:s13] =	ssyncset.done $0x0  }
0x31: {  	[sflag:s13] =	ssyncadd.s32 $0xFFFFC000  }
0x32: {  	[tilespmem:s15], [sflag:$0x2] =	stream.indirect.gather [spmem:s2], $0x80, s12, s14, $0xb8;
	[tilespmem:$0x140A8] =	vst v63  }
0x33: {  	s26 =	simm.s32 $0x128  }
0x34: {  	[tilespmem:s17], [sflag:$0x3] =	stream.indirect.gather [spmem:s2], $0x80, s26, s14, $0xb8;
	[tilespmem:$0x140A8] =	vst v63  }
0x35: {  	_ =	swait.ge [sflag:s18], $0x4000  }
0x36: {  	[sflag:s18] =	ssyncset.done $0x0  }
0x37: {  	[sflag:s18] =	ssyncadd.s32 $0xFFFFC000  }
0x38: {  	[hbm4b:s4+s3] =	stream.linear.scatter [tilespmem:s15], [sflag:$0x6], $0x4000, $0x38;
	[tilespmem:$0x140A8] =	vst v63  }
0x39: {  	s19 =	simm.s32 $0x1A8  }
0x3a: {  	[tilespmem:s20], [sflag:$0x4] =	stream.indirect.gather [spmem:s2], $0x80, s19, s14, $0xb8;
	[tilespmem:$0x140A8] =	vst v63  }
0x3b: {  	_ =	swait.ge [sflag:s21], $0x4000  }
0x3c: {  	[sflag:s21] =	ssyncset.done $0x0  }
0x3d: {  	[sflag:s21] =	ssyncadd.s32 $0xFFFFC000  }
0x3e: {  	[hbm4b:s8+s3] =	stream.linear.scatter [tilespmem:s17], [sflag:$0x7], $0x4000, $0x38;
	[tilespmem:$0x140A8] =	vst v63  }
0x3f: {  	s22 =	simm.s32 $0x228  }
0x40: {  	[tilespmem:s23], [sflag:$0x5] =	stream.indirect.gather [spmem:s2], $0x80, s22, s14, $0xb8;
	[tilespmem:$0x140A8] =	vst v63  }
0x41: {  	_ =	swait.ge [sflag:s24], $0x4000  }
0x42: {  	[sflag:s24] =	ssyncset.done $0x0  }
0x43: {  	[sflag:s24] =	ssyncadd.s32 $0xFFFFC000  }
0x44: {  	[hbm4b:s9+s3] =	stream.linear.scatter [tilespmem:s20], [sflag:$0x8], $0x4000, $0x38;
	[tilespmem:$0x140A8] =	vst v63  }
0x45: {  	_ =	swait.ge [sflag:s25], $0x4000  }
0x46: {  	[sflag:s25] =	ssyncset.done $0x0  }
0x47: {  	s26 =	simm.s32 $0x2A8;
	[sflag:s25] =	ssyncadd.s32 $0xFFFFC000  }
0x48: {  	[tilespmem:s15], [sflag:$0x2] =	stream.indirect.gather [spmem:s2], $0x80, s26, s14, $0xb8;
	[tilespmem:$0x140A8] =	vst v63  }
0x49: {  	_ =	swait.ge [sflag:s28], $0x4000  }
0x4a: {  	[sflag:s28] =	ssyncset.done $0x0  }
0x4b: {  	[sflag:s28] =	ssyncadd.s32 $0xFFFFC000  }
0x4c: {  	[hbm4b:s10+s3] =	stream.linear.scatter [tilespmem:s23], [sflag:$0x9], $0x4000, $0x38;
	[tilespmem:$0x140A8] =	vst v63  }
0x4d: {  	_ =	swait.ge [sflag:s29], $0x4000  }
0x4e: {  	[sflag:s29] =	ssyncset.done $0x0  }
0x4f: {  	s11 =	smov.u32 s16;
	s19 =	simm.s32 $0x0;
	[sflag:s29] =	ssyncadd.s32 $0xFFFFC000  }
0x50: {  	[tilespmem:s17], [sflag:$0x3] =	stream.indirect.gather [spmem:s2], $0x80, s30, s14, $0xb8;
	[tilespmem:$0x140A8] =	vst v63  }
.LBB2_2:
0x51: {  	_ =	swait.ge [sflag:s18], $0x4000  }
0x52: {  	[sflag:s18] =	ssyncset.done $0x0  }
0x53: {  	[sflag:s18] =	ssyncadd.s32 $0xFFFFC000  }
0x54: {  	[hbm4b:s11+s3] =	stream.linear.scatter [tilespmem:s15], [sflag:$0x6], $0x4000, $0x38;
	[tilespmem:$0x140A8] =	vst v63  }
0x55: {  	_ =	swait.ge [sflag:s31], $0x4000  }
0x56: {  	s22 =	sshra.s32 s19, $0x2;
	[sflag:s31] =	ssyncset.done $0x0  }
0x57: {  	s26 =	sadd.s32 $0x3A8, s22;
	[sflag:s31] =	ssyncadd.s32 $0xFFFFC000  }
0x58: {  	[tilespmem:s20], [sflag:$0x4] =	stream.indirect.gather [spmem:s2], $0x80, s26, s14, $0xb8;
	[tilespmem:$0x140A8] =	vst v63  }
0x59: {  	_ =	swait.ge [sflag:s21], $0x4000  }
0x5a: {  	[sflag:s21] =	ssyncset.done $0x0  }
0x5b: {  	s26 =	sadd.s32 $0x800, s11;
	[sflag:s21] =	ssyncadd.s32 $0xFFFFC000  }
0x5c: {  	[hbm4b:s26+s3] =	stream.linear.scatter [tilespmem:s17], [sflag:$0x7], $0x4000, $0x38;
	[tilespmem:$0x140A8] =	vst v63  }
0x5d: {  	_ =	swait.ge [sflag:s0], $0x4000  }
0x5e: {  	[sflag:s0] =	ssyncset.done $0x0  }
0x5f: {  	p1 =	seq.s32 s19, $0xF000;
	s26 =	sadd.s32 $0x428, s22;
	[sflag:s0] =	ssyncadd.s32 $0xFFFFC000  }
0x60: {  	[tilespmem:s23], [sflag:$0x5] =	stream.indirect.gather [spmem:s2], $0x80, s26, s14, $0xb8;
	[tilespmem:$0x140A8] =	vst v63  }
.Ltmp2:
0x61: {  	_ = 	snop;
	(pc) =	sbr.rel @p1 .LBB2_4-.Ltmp2, $4  }
0x62: {  	_ =	swait.ge [sflag:s24], $0x4000  }
0x63: {  	[sflag:s24] =	ssyncset.done $0x0  }
0x64: {  	s26 =	sadd.s32 $0x1000, s11;
	[sflag:s24] =	ssyncadd.s32 $0xFFFFC000  }
0x65: {  	[hbm4b:s26+s3] =	stream.linear.scatter [tilespmem:s20], [sflag:$0x8], $0x4000, $0x38;
	[tilespmem:$0x140A8] =	vst v63  }
0x66: {  	_ =	swait.ge [sflag:s25], $0x4000  }
0x67: {  	[sflag:s25] =	ssyncset.done $0x0  }
0x68: {  	s26 =	sadd.s32 $0x4A8, s22;
	[sflag:s25] =	ssyncadd.s32 $0xFFFFC000  }
0x69: {  	[tilespmem:s15], [sflag:$0x2] =	stream.indirect.gather [spmem:s2], $0x80, s26, s14, $0xb8;
	[tilespmem:$0x140A8] =	vst v63  }
0x6a: {  	_ =	swait.ge [sflag:s28], $0x4000  }
0x6b: {  	[sflag:s28] =	ssyncset.done $0x0  }
0x6c: {  	s26 =	sadd.s32 $0x1800, s11;
	[sflag:s28] =	ssyncadd.s32 $0xFFFFC000  }
0x6d: {  	[hbm4b:s26+s3] =	stream.linear.scatter [tilespmem:s23], [sflag:$0x9], $0x4000, $0x38;
	[tilespmem:$0x140A8] =	vst v63  }
.Ltmp3:
0x6e: {  	_ = 	snop;
	(pc) =	sbr.rel .LBB2_2-.Ltmp3, $4  }
0x6f: {  	_ =	swait.ge [sflag:s29], $0x4000  }
0x70: {  	s19 =	sadd.s32 $0x800, s19;
	[sflag:s29] =	ssyncset.done $0x0  }
0x71: {  	s11 =	sadd.s32 $0x2000, s11;
	s26 =	sadd.s32 $0x528, s22;
	[sflag:s29] =	ssyncadd.s32 $0xFFFFC000  }
0x72: {  	[tilespmem:s17], [sflag:$0x3] =	stream.indirect.gather [spmem:s2], $0x80, s26, s14, $0xb8;
	[tilespmem:$0x140A8] =	vst v63  }
.LBB2_5:
0x73: {  	_ =	sfence.sel $0x180000  }
0x74: {  	[bflag:$0x0] =	sbarrier.arrive $0xFFFF  }
0x75: {  	_ =	strace $0x90000047  }
0x76: {  	[bflag:$0x2] =	sbarrier.arrive $0xFFFF  }
0x77: {  	s0 =	rddreg [dreg:$0x4]  }
0x78: {  	s0 =	sadd.s32 @!p0 $0x100000, s0  }
0x79: {  	[sflag:s0] =	ssyncadd.tile.s32 @!p0 $0x1;
	_ =	shalt  }
.Lfunc_end2:
_tile_overlayer_lowered:
.L_overlay_start_2:
0x7a: {  	(tag) =	ssettag $0x2  }
0x7b: {  	s0 =	rddreg [dreg:$0x0];
	s2 =	stileid.u32  }
0x7c: {  	s1 =	rddreg [dreg:$0x1];
	p0 =	sne.s32 s2, $0x0  }
0x7d: {  	s3 =	rddreg [dreg:$0x2];
	[bflag:$0x3] =	sbarrier.arrive $0xFFFF;
	s2 =	simm.s32 @!p0 $0x1C0A  }
0x7e: {  	[timem:s3], [sflag:s2] =	dma.local @!p0 [hbm:s0], s1  }
0x7f: {  	s0 =	simm.s32 @!p0 $0xA  }
0x80: {  	_ =	swait.ge @!p0 [sflag:s0], s1  }
0x81: {  	s1 =	ssub.s32 @!p0 $0x0, s1;
	[sflag:s0] =	ssyncset.done @!p0 $0x0  }
0x82: {  	[sflag:s0] =	ssyncadd.s32 @!p0 s1  }
0x83: {  	[bflag:$0x3] =	sbarrier.arrive $0xFFFF  }
0x84: {  	_ =	shalt  }

</sc_bundles>
